<compile_context>
chip_gen: v7x
topology: tpu7x:2x2x1
jax: 0.10.2.dev20260603
libtpu: 0.0.44.dev20260713+nightly
codegen_flags: <defaults>
</compile_context>

<pallas_src>
import functools

import jax
import jax.numpy as jnp
from jax import lax
from jax.experimental import pallas as pl
from jax.experimental.pallas import tpu as pltpu
from jax.experimental.pallas import tpu_sc as plsc

_B, _N = 8, 65536
_PC, _AUG, _H = 3, 61, 128
_IN = _PC + _AUG
_PERCENT = 0.1
_TN = 2048


def _mlp_body(f_ref, xyz_ref, w1_ref, b1_ref, w2_ref, b2_ref, w3_ref, b3_ref,
              wp_ref, bp_ref, nrm_ref, wd1_ref, bd1_ref, wd2_ref, bd2_ref,
              wd3_ref, bd3_ref, cand_ref):
    fb = f_ref[0].T
    xyzb = xyz_ref[...].T
    x = jnp.concatenate([fb, xyzb], axis=-1)
    h = lax.dot(x, w1_ref[...]) + b1_ref[...]
    h = jnp.where(h >= 0, h, 0.01 * h)
    h = lax.dot(h, w2_ref[...]) + b2_ref[...]
    h = jnp.where(h >= 0, h, 0.01 * h)
    h = lax.dot(h, w3_ref[...]) + b3_ref[...]
    h = jnp.maximum(h, 0.0)
    p = (lax.dot(h, wp_ref[...]) + bp_ref[...]) / nrm_ref[0, 0]
    y = jax.nn.sigmoid(p)
    px = fb * y
    d = lax.dot(px, wd1_ref[...]) + bd1_ref[...]
    d = jnp.maximum(d, 0.0)
    d = lax.dot(d, wd2_ref[...]) + bd2_ref[...]
    d = jnp.maximum(d, 0.0)
    d = lax.dot(d, wd3_ref[...]) + bd3_ref[...]
    cand = d + jnp.concatenate(
        [xyzb, p, jnp.zeros((xyzb.shape[0], 124), jnp.float32)], axis=-1)
    cand_ref[...] = cand


def _full(shape):
    return pl.BlockSpec(shape, lambda *_: tuple(0 for _ in shape))


_NW = 32
_G_CHUNK = 928
_G_NCHUNK = 16
_G_PER_W = _G_CHUNK * _G_NCHUNK
_G_TOTAL = _G_PER_W * _NW


def _sc_gather_body(cand_hbm, idx_hbm, out_hbm, idx_v, rows_v, sem):
    wid = lax.axis_index("s") * 2 + lax.axis_index("c")
    base = wid * _G_PER_W
    for c in range(_G_NCHUNK):
        off = base + c * _G_CHUNK
        pltpu.sync_copy(idx_hbm.at[pl.ds(off, _G_CHUNK)], idx_v)
        pltpu.async_copy(cand_hbm.at[idx_v], rows_v, sem).wait()
        pltpu.sync_copy(rows_v, out_hbm.at[pl.ds(off, _G_CHUNK)])


@functools.lru_cache(maxsize=1)
def _make_sc_gather():
    return pl.kernel(
        _sc_gather_body,
        out_type=jax.ShapeDtypeStruct((_G_TOTAL, 128), jnp.float32),
        mesh=plsc.VectorSubcoreMesh(core_axis_name="c", subcore_axis_name="s"),
        scratch_types=[
            pltpu.VMEM((_G_CHUNK,), jnp.int32),
            pltpu.VMEM((_G_CHUNK, 128), jnp.float32),
            pltpu.SemaphoreType.DMA,
        ],
        compiler_params=pltpu.CompilerParams(use_tc_tiling_on_sc=True),
    )


def _sc_gather(cand, gidx):
    return _make_sc_gather()(cand, gidx)


@jax.jit
def kernel(xyz, f, W1, b1, W2, b2, W3, b3, Wp, bp, Wd1, bd1, Wd2, bd2, Wd3, bd3):
    BN = _B * _N
    num_out = int(_N * _PERCENT)
    f_t = jnp.transpose(f, (0, 2, 1))
    xyz_t = jnp.transpose(xyz, (2, 0, 1)).reshape(_PC, BN)
    nrm = jnp.linalg.norm(Wp).reshape(1, 1)
    wd3t = jnp.zeros((_IN // 4, 128), jnp.float32).at[:, :_PC].set(Wd3.T)
    bd3p = jnp.zeros((1, 128), jnp.float32).at[0, :_PC].set(bd3)

    nb = _N // _TN
    grid = (_B, nb)
    cand = pl.pallas_call(
        _mlp_body,
        grid=grid,
        in_specs=[
            pl.BlockSpec((1, _IN, _TN), lambda b, i: (b, 0, i)),
            pl.BlockSpec((_PC, _TN), lambda b, i: (0, b * nb + i)),
            _full((_IN + _PC, _H)),
            _full((1, _H)),
            _full((_H, _H)),
            _full((1, _H)),
            _full((_H, 32)),
            _full((1, 32)),
            _full((32, 1)),
            _full((1, 1)),
            _full((1, 1)),
            _full((_IN, _IN // 2)),
            _full((1, _IN // 2)),
            _full((_IN // 2, _IN // 4)),
            _full((1, _IN // 4)),
            _full((_IN // 4, 128)),
            _full((1, 128)),
        ],
        out_specs=pl.BlockSpec((_TN, 128), lambda b, i: (b * nb + i, 0)),
        out_shape=jax.ShapeDtypeStruct((BN, 128), jnp.float32),
        compiler_params=pltpu.CompilerParams(
            dimension_semantics=("arbitrary", "arbitrary"),
        ),
    )(f_t, xyz_t, W1.T, b1.reshape(1, _H), W2.T, b2.reshape(1, _H), W3.T,
      b3.reshape(1, 32), Wp.T, bp.reshape(1, 1), nrm, Wd1.T,
      bd1.reshape(1, _IN // 2), Wd2.T, bd2.reshape(1, _IN // 4), wd3t, bd3p)

    probs = cand[:, 3].reshape(_B, _N)
    prob_idx = jnp.argsort(-probs, axis=-1)
    clean_idx = prob_idx[:, num_out:]
    nc = _N - num_out
    gidx = (jnp.arange(_B, dtype=jnp.int32)[:, None] * _N + clean_idx).reshape(-1)
    gidx = jnp.pad(gidx, (0, _G_TOTAL - _B * nc))
    gathered = _sc_gather(cand, gidx)
    est_xyz = gathered[: _B * nc, :_PC].reshape(_B, nc, _PC)
    return (prob_idx, est_xyz)

# --- scband reference (transcript-rebuilt; emitter-appended) ---
"""Pipeline reference for scband-point-outlier-pooling-28372553957670 (READ-ONLY COPY).

The authoritative reference and input builder live on the scoring server;
editing this copy changes nothing except your own understanding.
"""

import jax, jax.numpy as jnp
import numpy as np

B, N = 8, 65536
PC, AUG, H = 3, 61, 128
IN = PC + AUG  # 64
PERCENT = 0.1


def setup_inputs(seed: int = 0) -> dict:
    key = jax.random.key(seed)
    ks = jax.random.split(key, 16)

    def w(k, o, i):
        return (jax.random.normal(k, (o, i), dtype=jnp.float32) * (1.0 / np.sqrt(i)))

    inp = {}
    inp['xyz'] = jax.random.normal(ks[0], (B, N, PC), dtype=jnp.float32)
    inp['f'] = jax.random.normal(ks[1], (B, N, IN), dtype=jnp.float32)
    # linears: (IN+PC)->H, H->H, H->32
    inp['W1'] = w(ks[2], H, IN + PC); inp['b1'] = jnp.zeros((H,), jnp.float32)
    inp['W2'] = w(ks[3], H, H);       inp['b2'] = jnp.zeros((H,), jnp.float32)
    inp['W3'] = w(ks[4], 32, H);      inp['b3'] = jnp.zeros((32,), jnp.float32)
    # prob_linear: 32->1
    inp['Wp'] = w(ks[5], 1, 32);      inp['bp'] = jnp.zeros((1,), jnp.float32)
    # displacement_mlp: IN->IN//2->IN//4->3
    inp['Wd1'] = w(ks[6], IN // 2, IN);       inp['bd1'] = jnp.zeros((IN // 2,), jnp.float32)
    inp['Wd2'] = w(ks[7], IN // 4, IN // 2);  inp['bd2'] = jnp.zeros((IN // 4,), jnp.float32)
    inp['Wd3'] = w(ks[8], 3, IN // 4);        inp['bd3'] = jnp.zeros((3,), jnp.float32)
    return inp


def reference(xyz, f, W1, b1, W2, b2, W3, b3, Wp, bp, Wd1, bd1, Wd2, bd2, Wd3, bd3):
    def lin(x, W, b):
        return x @ W.T + b

    x = jnp.concatenate([f, xyz], axis=-1)
    x = jax.nn.leaky_relu(lin(x, W1, b1), negative_slope=0.01)
    x = jax.nn.leaky_relu(lin(x, W2, b2), negative_slope=0.01)
    x = jax.nn.relu(lin(x, W3, b3))
    x = lin(x, Wp, bp) / jnp.linalg.norm(Wp)
    outlier_probs = jnp.squeeze(x, axis=-1)  # [B, N]
    prob_idx = jnp.argsort(-outlier_probs, axis=-1)  # descending
    num_outlier = int(N * PERCENT)
    clean_idx = prob_idx[:, num_outlier:]  # [B, Nc]
    y = jnp.take_along_axis(outlier_probs, clean_idx, axis=1)
    y = jax.nn.sigmoid(y)
    px = jnp.take_along_axis(f, clean_idx[:, :, None], axis=1)
    px = px * y[:, :, None]
    d = jax.nn.relu(lin(px, Wd1, bd1))
    d = jax.nn.relu(lin(d, Wd2, bd2))
    d = lin(d, Wd3, bd3)
    est_xyz = jnp.take_along_axis(xyz, clean_idx[:, :, None], axis=1) + d
    return (prob_idx, est_xyz)

if __name__ == "__main__":
    import jax
    _d = setup_inputs()
    print(jax.jit(kernel)(*tuple(_d.values())))

</pallas_src>

<mosaic_0001>
#map = affine_map<(d0, d1) -> (0, 0)>
#map1 = affine_map<(d0, d1) -> (0)>
module attributes {stable_mosaic.version = 14 : i64} {
  func.func @_sc_gather_body(%arg0: i32, %arg1: i32, %arg2: memref<524288x128xf32, #tpu.memory_space<hbm>>, %arg3: memref<475136xi32, #tpu.memory_space<hbm>>, %arg4: memref<475136x128xf32, #tpu.memory_space<hbm>>, %arg5: memref<928xi32, #tpu.memory_space<vmem>>, %arg6: memref<928x128xf32, #tpu.memory_space<vmem>>, %arg7: memref<!tpu.dma_semaphore, #tpu.memory_space<semaphore_mem>>) attributes {dimension_semantics = [#tpu.dimension_semantics<core_parallel>, #tpu.dimension_semantics<subcore_parallel>], iteration_bounds = array<i64: 2, 16>, scalar_prefetch = 0 : i64, scratch_operands = 3 : i64, tpu.core_type = #tpu.core_type<sc_vector_subcore>, window_params = [{transform_indices = #map}, {transform_indices = #map1}, {transform_indices = #map}]} {
    %mul3A = arith.constant 2 : i32
    %mul3A_0 = arith.muli %arg1, %mul3A : i32
    %add3A = arith.addi %mul3A_0, %arg0 : i32
    %mul3A_1 = arith.constant 14848 : i32
    %mul3A_2 = arith.muli %add3A, %mul3A_1 : i32
    %add3A_3 = arith.constant 0 : i32
    %add3A_4 = arith.addi %mul3A_2, %add3A_3 : i32
    "tpu.region"() ({
      %run_scoped3A = tpu.sem_alloc : memref<!tpu.dma_semaphore, #tpu.memory_space<semaphore_mem>>
      %dma_start3A_129 = tpu.memref_slice %arg3[%add3A_4] : memref<475136xi32, #tpu.memory_space<hbm>> -> memref<928xi32, #tpu.memory_space<hbm>>
      %dma_start3A_130 = tpu.memref_slice %arg3[%add3A_4] : memref<475136xi32, #tpu.memory_space<hbm>> -> memref<928xi32, #tpu.memory_space<hbm>>
      tpu.enqueue_dma source(%dma_start3A_130 : memref<928xi32, #tpu.memory_space<hbm>>) target(%arg5 : memref<928xi32, #tpu.memory_space<vmem>>) target_semaphore(%run_scoped3A : memref<!tpu.dma_semaphore, #tpu.memory_space<semaphore_mem>>)
      %dma_wait3A_131 = tpu.memref_slice %arg3[%add3A_4] : memref<475136xi32, #tpu.memory_space<hbm>> -> memref<928xi32, #tpu.memory_space<hbm>>
      %dma_wait3A_132 = tpu.memref_slice %arg3[%add3A_4] : memref<475136xi32, #tpu.memory_space<hbm>> -> memref<928xi32, #tpu.memory_space<hbm>>
      tpu.wait_dma2 semaphore(%run_scoped3A : memref<!tpu.dma_semaphore, #tpu.memory_space<semaphore_mem>>) src(%dma_wait3A_132 : memref<928xi32, #tpu.memory_space<hbm>>) dst(%arg5 : memref<928xi32, #tpu.memory_space<vmem>>)
      tpu.yield
    }) : () -> ()
    %dma_start3A = arith.constant 0 : i32
    %dma_start3A_5 = arith.constant 0 : i32
    %dma_start3A_6 = tpu.memref_slice %arg2[%dma_start3A, %dma_start3A_5] : memref<524288x128xf32, #tpu.memory_space<hbm>> -> memref<524288x128xf32, #tpu.memory_space<hbm>>
    tpu.enqueue_indirect_dma source(%dma_start3A_6 : memref<524288x128xf32, #tpu.memory_space<hbm>>) target(%arg6 : memref<928x128xf32, #tpu.memory_space<vmem>>) offsets(%arg5 : memref<928xi32, #tpu.memory_space<vmem>>) semaphore(%arg7 : memref<!tpu.dma_semaphore, #tpu.memory_space<semaphore_mem>>)
    %dma_wait3A = arith.constant 0 : i32
    %dma_wait3A_7 = arith.constant 0 : i32
    %dma_wait3A_8 = tpu.memref_slice %arg2[%dma_wait3A, %dma_wait3A_7] : memref<524288x128xf32, #tpu.memory_space<hbm>> -> memref<524288x128xf32, #tpu.memory_space<hbm>>
    tpu.wait_indirect_dma semaphore(%arg7 : memref<!tpu.dma_semaphore, #tpu.memory_space<semaphore_mem>>) src(%dma_wait3A_8 : memref<524288x128xf32, #tpu.memory_space<hbm>>) dst(%arg6 : memref<928x128xf32, #tpu.memory_space<vmem>>)
    "tpu.region"() ({
      %run_scoped3A = tpu.sem_alloc : memref<!tpu.dma_semaphore, #tpu.memory_space<semaphore_mem>>
      %dma_start3A_129 = arith.constant 0 : i32
      %dma_start3A_130 = tpu.memref_slice %arg4[%add3A_4, %dma_start3A_129] : memref<475136x128xf32, #tpu.memory_space<hbm>> -> memref<928x128xf32, #tpu.memory_space<hbm>>
      %dma_start3A_131 = arith.constant 0 : i32
      %dma_start3A_132 = tpu.memref_slice %arg4[%add3A_4, %dma_start3A_131] : memref<475136x128xf32, #tpu.memory_space<hbm>> -> memref<928x128xf32, #tpu.memory_space<hbm>>
      tpu.enqueue_dma source(%arg6 : memref<928x128xf32, #tpu.memory_space<vmem>>) target(%dma_start3A_132 : memref<928x128xf32, #tpu.memory_space<hbm>>) target_semaphore(%run_scoped3A : memref<!tpu.dma_semaphore, #tpu.memory_space<semaphore_mem>>)
      %dma_wait3A_133 = arith.constant 0 : i32
      %dma_wait3A_134 = tpu.memref_slice %arg4[%add3A_4, %dma_wait3A_133] : memref<475136x128xf32, #tpu.memory_space<hbm>> -> memref<928x128xf32, #tpu.memory_space<hbm>>
      %dma_wait3A_135 = arith.constant 0 : i32
      %dma_wait3A_136 = tpu.memref_slice %arg4[%add3A_4, %dma_wait3A_135] : memref<475136x128xf32, #tpu.memory_space<hbm>> -> memref<928x128xf32, #tpu.memory_space<hbm>>
      tpu.wait_dma2 semaphore(%run_scoped3A : memref<!tpu.dma_semaphore, #tpu.memory_space<semaphore_mem>>) src(%arg6 : memref<928x128xf32, #tpu.memory_space<vmem>>) dst(%dma_wait3A_136 : memref<928x128xf32, #tpu.memory_space<hbm>>)
      tpu.yield
    }) : () -> ()
    %add3A_9 = arith.constant 928 : i32
    %add3A_10 = arith.addi %mul3A_2, %add3A_9 : i32
    "tpu.region"() ({
      %run_scoped3A = tpu.sem_alloc : memref<!tpu.dma_semaphore, #tpu.memory_space<semaphore_mem>>
      %dma_start3A_129 = tpu.memref_slice %arg3[%add3A_10] : memref<475136xi32, #tpu.memory_space<hbm>> -> memref<928xi32, #tpu.memory_space<hbm>>
      %dma_start3A_130 = tpu.memref_slice %arg3[%add3A_10] : memref<475136xi32, #tpu.memory_space<hbm>> -> memref<928xi32, #tpu.memory_space<hbm>>
      tpu.enqueue_dma source(%dma_start3A_130 : memref<928xi32, #tpu.memory_space<hbm>>) target(%arg5 : memref<928xi32, #tpu.memory_space<vmem>>) target_semaphore(%run_scoped3A : memref<!tpu.dma_semaphore, #tpu.memory_space<semaphore_mem>>)
      %dma_wait3A_131 = tpu.memref_slice %arg3[%add3A_10] : memref<475136xi32, #tpu.memory_space<hbm>> -> memref<928xi32, #tpu.memory_space<hbm>>
      %dma_wait3A_132 = tpu.memref_slice %arg3[%add3A_10] : memref<475136xi32, #tpu.memory_space<hbm>> -> memref<928xi32, #tpu.memory_space<hbm>>
      tpu.wait_dma2 semaphore(%run_scoped3A : memref<!tpu.dma_semaphore, #tpu.memory_space<semaphore_mem>>) src(%dma_wait3A_132 : memref<928xi32, #tpu.memory_space<hbm>>) dst(%arg5 : memref<928xi32, #tpu.memory_space<vmem>>)
      tpu.yield
    }) : () -> ()
    %dma_start3A_11 = arith.constant 0 : i32
    %dma_start3A_12 = arith.constant 0 : i32
    %dma_start3A_13 = tpu.memref_slice %arg2[%dma_start3A_11, %dma_start3A_12] : memref<524288x128xf32, #tpu.memory_space<hbm>> -> memref<524288x128xf32, #tpu.memory_space<hbm>>
    tpu.enqueue_indirect_dma source(%dma_start3A_13 : memref<524288x128xf32, #tpu.memory_space<hbm>>) target(%arg6 : memref<928x128xf32, #tpu.memory_space<vmem>>) offsets(%arg5 : memref<928xi32, #tpu.memory_space<vmem>>) semaphore(%arg7 : memref<!tpu.dma_semaphore, #tpu.memory_space<semaphore_mem>>)
    %dma_wait3A_14 = arith.constant 0 : i32
    %dma_wait3A_15 = arith.constant 0 : i32
    %dma_wait3A_16 = tpu.memref_slice %arg2[%dma_wait3A_14, %dma_wait3A_15] : memref<524288x128xf32, #tpu.memory_space<hbm>> -> memref<524288x128xf32, #tpu.memory_space<hbm>>
    tpu.wait_indirect_dma semaphore(%arg7 : memref<!tpu.dma_semaphore, #tpu.memory_space<semaphore_mem>>) src(%dma_wait3A_16 : memref<524288x128xf32, #tpu.memory_space<hbm>>) dst(%arg6 : memref<928x128xf32, #tpu.memory_space<vmem>>)
    "tpu.region"() ({
      %run_scoped3A = tpu.sem_alloc : memref<!tpu.dma_semaphore, #tpu.memory_space<semaphore_mem>>
      %dma_start3A_129 = arith.constant 0 : i32
      %dma_start3A_130 = tpu.memref_slice %arg4[%add3A_10, %dma_start3A_129] : memref<475136x128xf32, #tpu.memory_space<hbm>> -> memref<928x128xf32, #tpu.memory_space<hbm>>
      %dma_start3A_131 = arith.constant 0 : i32
      %dma_start3A_132 = tpu.memref_slice %arg4[%add3A_10, %dma_start3A_131] : memref<475136x128xf32, #tpu.memory_space<hbm>> -> memref<928x128xf32, #tpu.memory_space<hbm>>
      tpu.enqueue_dma source(%arg6 : memref<928x128xf32, #tpu.memory_space<vmem>>) target(%dma_start3A_132 : memref<928x128xf32, #tpu.memory_space<hbm>>) target_semaphore(%run_scoped3A : memref<!tpu.dma_semaphore, #tpu.memory_space<semaphore_mem>>)
      %dma_wait3A_133 = arith.constant 0 : i32
      %dma_wait3A_134 = tpu.memref_slice %arg4[%add3A_10, %dma_wait3A_133] : memref<475136x128xf32, #tpu.memory_space<hbm>> -> memref<928x128xf32, #tpu.memory_space<hbm>>
      %dma_wait3A_135 = arith.constant 0 : i32
      %dma_wait3A_136 = tpu.memref_slice %arg4[%add3A_10, %dma_wait3A_135] : memref<475136x128xf32, #tpu.memory_space<hbm>> -> memref<928x128xf32, #tpu.memory_space<hbm>>
      tpu.wait_dma2 semaphore(%run_scoped3A : memref<!tpu.dma_semaphore, #tpu.memory_space<semaphore_mem>>) src(%arg6 : memref<928x128xf32, #tpu.memory_space<vmem>>) dst(%dma_wait3A_136 : memref<928x128xf32, #tpu.memory_space<hbm>>)
      tpu.yield
    }) : () -> ()
    %add3A_17 = arith.constant 1856 : i32
    %add3A_18 = arith.addi %mul3A_2, %add3A_17 : i32
    "tpu.region"() ({
      %run_scoped3A = tpu.sem_alloc : memref<!tpu.dma_semaphore, #tpu.memory_space<semaphore_mem>>
      %dma_start3A_129 = tpu.memref_slice %arg3[%add3A_18] : memref<475136xi32, #tpu.memory_space<hbm>> -> memref<928xi32, #tpu.memory_space<hbm>>
      %dma_start3A_130 = tpu.memref_slice %arg3[%add3A_18] : memref<475136xi32, #tpu.memory_space<hbm>> -> memref<928xi32, #tpu.memory_space<hbm>>
      tpu.enqueue_dma source(%dma_start3A_130 : memref<928xi32, #tpu.memory_space<hbm>>) target(%arg5 : memref<928xi32, #tpu.memory_space<vmem>>) target_semaphore(%run_scoped3A : memref<!tpu.dma_semaphore, #tpu.memory_space<semaphore_mem>>)
      %dma_wait3A_131 = tpu.memref_slice %arg3[%add3A_18] : memref<475136xi32, #tpu.memory_space<hbm>> -> memref<928xi32, #tpu.memory_space<hbm>>
      %dma_wait3A_132 = tpu.memref_slice %arg3[%add3A_18] : memref<475136xi32, #tpu.memory_space<hbm>> -> memref<928xi32, #tpu.memory_space<hbm>>
      tpu.wait_dma2 semaphore(%run_scoped3A : memref<!tpu.dma_semaphore, #tpu.memory_space<semaphore_mem>>) src(%dma_wait3A_132 : memref<928xi32, #tpu.memory_space<hbm>>) dst(%arg5 : memref<928xi32, #tpu.memory_space<vmem>>)
      tpu.yield
    }) : () -> ()
    %dma_start3A_19 = arith.constant 0 : i32
    %dma_start3A_20 = arith.constant 0 : i32
    %dma_start3A_21 = tpu.memref_slice %arg2[%dma_start3A_19, %dma_start3A_20] : memref<524288x128xf32, #tpu.memory_space<hbm>> -> memref<524288x128xf32, #tpu.memory_space<hbm>>
    tpu.enqueue_indirect_dma source(%dma_start3A_21 : memref<524288x128xf32, #tpu.memory_space<hbm>>) target(%arg6 : memref<928x128xf32, #tpu.memory_space<vmem>>) offsets(%arg5 : memref<928xi32, #tpu.memory_space<vmem>>) semaphore(%arg7 : memref<!tpu.dma_semaphore, #tpu.memory_space<semaphore_mem>>)
    %dma_wait3A_22 = arith.constant 0 : i32
    %dma_wait3A_23 = arith.constant 0 : i32
    %dma_wait3A_24 = tpu.memref_slice %arg2[%dma_wait3A_22, %dma_wait3A_23] : memref<524288x128xf32, #tpu.memory_space<hbm>> -> memref<524288x128xf32, #tpu.memory_space<hbm>>
    tpu.wait_indirect_dma semaphore(%arg7 : memref<!tpu.dma_semaphore, #tpu.memory_space<semaphore_mem>>) src(%dma_wait3A_24 : memref<524288x128xf32, #tpu.memory_space<hbm>>) dst(%arg6 : memref<928x128xf32, #tpu.memory_space<vmem>>)
    "tpu.region"() ({
      %run_scoped3A = tpu.sem_alloc : memref<!tpu.dma_semaphore, #tpu.memory_space<semaphore_mem>>
      %dma_start3A_129 = arith.constant 0 : i32
      %dma_start3A_130 = tpu.memref_slice %arg4[%add3A_18, %dma_start3A_129] : memref<475136x128xf32, #tpu.memory_space<hbm>> -> memref<928x128xf32, #tpu.memory_space<hbm>>
      %dma_start3A_131 = arith.constant 0 : i32
      %dma_start3A_132 = tpu.memref_slice %arg4[%add3A_18, %dma_start3A_131] : memref<475136x128xf32, #tpu.memory_space<hbm>> -> memref<928x128xf32, #tpu.memory_space<hbm>>
      tpu.enqueue_dma source(%arg6 : memref<928x128xf32, #tpu.memory_space<vmem>>) target(%dma_start3A_132 : memref<928x128xf32, #tpu.memory_space<hbm>>) target_semaphore(%run_scoped3A : memref<!tpu.dma_semaphore, #tpu.memory_space<semaphore_mem>>)
      %dma_wait3A_133 = arith.constant 0 : i32
      %dma_wait3A_134 = tpu.memref_slice %arg4[%add3A_18, %dma_wait3A_133] : memref<475136x128xf32, #tpu.memory_space<hbm>> -> memref<928x128xf32, #tpu.memory_space<hbm>>
      %dma_wait3A_135 = arith.constant 0 : i32
      %dma_wait3A_136 = tpu.memref_slice %arg4[%add3A_18, %dma_wait3A_135] : memref<475136x128xf32, #tpu.memory_space<hbm>> -> memref<928x128xf32, #tpu.memory_space<hbm>>
      tpu.wait_dma2 semaphore(%run_scoped3A : memref<!tpu.dma_semaphore, #tpu.memory_space<semaphore_mem>>) src(%arg6 : memref<928x128xf32, #tpu.memory_space<vmem>>) dst(%dma_wait3A_136 : memref<928x128xf32, #tpu.memory_space<hbm>>)
      tpu.yield
    }) : () -> ()
    %add3A_25 = arith.constant 2784 : i32
    %add3A_26 = arith.addi %mul3A_2, %add3A_25 : i32
    "tpu.region"() ({
      %run_scoped3A = tpu.sem_alloc : memref<!tpu.dma_semaphore, #tpu.memory_space<semaphore_mem>>
      %dma_start3A_129 = tpu.memref_slice %arg3[%add3A_26] : memref<475136xi32, #tpu.memory_space<hbm>> -> memref<928xi32, #tpu.memory_space<hbm>>
      %dma_start3A_130 = tpu.memref_slice %arg3[%add3A_26] : memref<475136xi32, #tpu.memory_space<hbm>> -> memref<928xi32, #tpu.memory_space<hbm>>
      tpu.enqueue_dma source(%dma_start3A_130 : memref<928xi32, #tpu.memory_space<hbm>>) target(%arg5 : memref<928xi32, #tpu.memory_space<vmem>>) target_semaphore(%run_scoped3A : memref<!tpu.dma_semaphore, #tpu.memory_space<semaphore_mem>>)
      %dma_wait3A_131 = tpu.memref_slice %arg3[%add3A_26] : memref<475136xi32, #tpu.memory_space<hbm>> -> memref<928xi32, #tpu.memory_space<hbm>>
      %dma_wait3A_132 = tpu.memref_slice %arg3[%add3A_26] : memref<475136xi32, #tpu.memory_space<hbm>> -> memref<928xi32, #tpu.memory_space<hbm>>
      tpu.wait_dma2 semaphore(%run_scoped3A : memref<!tpu.dma_semaphore, #tpu.memory_space<semaphore_mem>>) src(%dma_wait3A_132 : memref<928xi32, #tpu.memory_space<hbm>>) dst(%arg5 : memref<928xi32, #tpu.memory_space<vmem>>)
      tpu.yield
    }) : () -> ()
    %dma_start3A_27 = arith.constant 0 : i32
    %dma_start3A_28 = arith.constant 0 : i32
    %dma_start3A_29 = tpu.memref_slice %arg2[%dma_start3A_27, %dma_start3A_28] : memref<524288x128xf32, #tpu.memory_space<hbm>> -> memref<524288x128xf32, #tpu.memory_space<hbm>>
    tpu.enqueue_indirect_dma source(%dma_start3A_29 : memref<524288x128xf32, #tpu.memory_space<hbm>>) target(%arg6 : memref<928x128xf32, #tpu.memory_space<vmem>>) offsets(%arg5 : memref<928xi32, #tpu.memory_space<vmem>>) semaphore(%arg7 : memref<!tpu.dma_semaphore, #tpu.memory_space<semaphore_mem>>)
    %dma_wait3A_30 = arith.constant 0 : i32
    %dma_wait3A_31 = arith.constant 0 : i32
    %dma_wait3A_32 = tpu.memref_slice %arg2[%dma_wait3A_30, %dma_wait3A_31] : memref<524288x128xf32, #tpu.memory_space<hbm>> -> memref<524288x128xf32, #tpu.memory_space<hbm>>
    tpu.wait_indirect_dma semaphore(%arg7 : memref<!tpu.dma_semaphore, #tpu.memory_space<semaphore_mem>>) src(%dma_wait3A_32 : memref<524288x128xf32, #tpu.memory_space<hbm>>) dst(%arg6 : memref<928x128xf32, #tpu.memory_space<vmem>>)
    "tpu.region"() ({
      %run_scoped3A = tpu.sem_alloc : memref<!tpu.dma_semaphore, #tpu.memory_space<semaphore_mem>>
      %dma_start3A_129 = arith.constant 0 : i32
      %dma_start3A_130 = tpu.memref_slice %arg4[%add3A_26, %dma_start3A_129] : memref<475136x128xf32, #tpu.memory_space<hbm>> -> memref<928x128xf32, #tpu.memory_space<hbm>>
      %dma_start3A_131 = arith.constant 0 : i32
      %dma_start3A_132 = tpu.memref_slice %arg4[%add3A_26, %dma_start3A_131] : memref<475136x128xf32, #tpu.memory_space<hbm>> -> memref<928x128xf32, #tpu.memory_space<hbm>>
      tpu.enqueue_dma source(%arg6 : memref<928x128xf32, #tpu.memory_space<vmem>>) target(%dma_start3A_132 : memref<928x128xf32, #tpu.memory_space<hbm>>) target_semaphore(%run_scoped3A : memref<!tpu.dma_semaphore, #tpu.memory_space<semaphore_mem>>)
      %dma_wait3A_133 = arith.constant 0 : i32
      %dma_wait3A_134 = tpu.memref_slice %arg4[%add3A_26, %dma_wait3A_133] : memref<475136x128xf32, #tpu.memory_space<hbm>> -> memref<928x128xf32, #tpu.memory_space<hbm>>
      %dma_wait3A_135 = arith.constant 0 : i32
      %dma_wait3A_136 = tpu.memref_slice %arg4[%add3A_26, %dma_wait3A_135] : memref<475136x128xf32, #tpu.memory_space<hbm>> -> memref<928x128xf32, #tpu.memory_space<hbm>>
      tpu.wait_dma2 semaphore(%run_scoped3A : memref<!tpu.dma_semaphore, #tpu.memory_space<semaphore_mem>>) src(%arg6 : memref<928x128xf32, #tpu.memory_space<vmem>>) dst(%dma_wait3A_136 : memref<928x128xf32, #tpu.memory_space<hbm>>)
      tpu.yield
    }) : () -> ()
    %add3A_33 = arith.constant 3712 : i32
    %add3A_34 = arith.addi %mul3A_2, %add3A_33 : i32
    "tpu.region"() ({
      %run_scoped3A = tpu.sem_alloc : memref<!tpu.dma_semaphore, #tpu.memory_space<semaphore_mem>>
      %dma_start3A_129 = tpu.memref_slice %arg3[%add3A_34] : memref<475136xi32, #tpu.memory_space<hbm>> -> memref<928xi32, #tpu.memory_space<hbm>>
      %dma_start3A_130 = tpu.memref_slice %arg3[%add3A_34] : memref<475136xi32, #tpu.memory_space<hbm>> -> memref<928xi32, #tpu.memory_space<hbm>>
      tpu.enqueue_dma source(%dma_start3A_130 : memref<928xi32, #tpu.memory_space<hbm>>) target(%arg5 : memref<928xi32, #tpu.memory_space<vmem>>) target_semaphore(%run_scoped3A : memref<!tpu.dma_semaphore, #tpu.memory_space<semaphore_mem>>)
      %dma_wait3A_131 = tpu.memref_slice %arg3[%add3A_34] : memref<475136xi32, #tpu.memory_space<hbm>> -> memref<928xi32, #tpu.memory_space<hbm>>
      %dma_wait3A_132 = tpu.memref_slice %arg3[%add3A_34] : memref<475136xi32, #tpu.memory_space<hbm>> -> memref<928xi32, #tpu.memory_space<hbm>>
      tpu.wait_dma2 semaphore(%run_scoped3A : memref<!tpu.dma_semaphore, #tpu.memory_space<semaphore_mem>>) src(%dma_wait3A_132 : memref<928xi32, #tpu.memory_space<hbm>>) dst(%arg5 : memref<928xi32, #tpu.memory_space<vmem>>)
      tpu.yield
    }) : () -> ()
    %dma_start3A_35 = arith.constant 0 : i32
    %dma_start3A_36 = arith.constant 0 : i32
    %dma_start3A_37 = tpu.memref_slice %arg2[%dma_start3A_35, %dma_start3A_36] : memref<524288x128xf32, #tpu.memory_space<hbm>> -> memref<524288x128xf32, #tpu.memory_space<hbm>>
    tpu.enqueue_indirect_dma source(%dma_start3A_37 : memref<524288x128xf32, #tpu.memory_space<hbm>>) target(%arg6 : memref<928x128xf32, #tpu.memory_space<vmem>>) offsets(%arg5 : memref<928xi32, #tpu.memory_space<vmem>>) semaphore(%arg7 : memref<!tpu.dma_semaphore, #tpu.memory_space<semaphore_mem>>)
    %dma_wait3A_38 = arith.constant 0 : i32
    %dma_wait3A_39 = arith.constant 0 : i32
    %dma_wait3A_40 = tpu.memref_slice %arg2[%dma_wait3A_38, %dma_wait3A_39] : memref<524288x128xf32, #tpu.memory_space<hbm>> -> memref<524288x128xf32, #tpu.memory_space<hbm>>
    tpu.wait_indirect_dma semaphore(%arg7 : memref<!tpu.dma_semaphore, #tpu.memory_space<semaphore_mem>>) src(%dma_wait3A_40 : memref<524288x128xf32, #tpu.memory_space<hbm>>) dst(%arg6 : memref<928x128xf32, #tpu.memory_space<vmem>>)
    "tpu.region"() ({
      %run_scoped3A = tpu.sem_alloc : memref<!tpu.dma_semaphore, #tpu.memory_space<semaphore_mem>>
      %dma_start3A_129 = arith.constant 0 : i32
      %dma_start3A_130 = tpu.memref_slice %arg4[%add3A_34, %dma_start3A_129] : memref<475136x128xf32, #tpu.memory_space<hbm>> -> memref<928x128xf32, #tpu.memory_space<hbm>>
      %dma_start3A_131 = arith.constant 0 : i32
      %dma_start3A_132 = tpu.memref_slice %arg4[%add3A_34, %dma_start3A_131] : memref<475136x128xf32, #tpu.memory_space<hbm>> -> memref<928x128xf32, #tpu.memory_space<hbm>>
      tpu.enqueue_dma source(%arg6 : memref<928x128xf32, #tpu.memory_space<vmem>>) target(%dma_start3A_132 : memref<928x128xf32, #tpu.memory_space<hbm>>) target_semaphore(%run_scoped3A : memref<!tpu.dma_semaphore, #tpu.memory_space<semaphore_mem>>)
      %dma_wait3A_133 = arith.constant 0 : i32
      %dma_wait3A_134 = tpu.memref_slice %arg4[%add3A_34, %dma_wait3A_133] : memref<475136x128xf32, #tpu.memory_space<hbm>> -> memref<928x128xf32, #tpu.memory_space<hbm>>
      %dma_wait3A_135 = arith.constant 0 : i32
      %dma_wait3A_136 = tpu.memref_slice %arg4[%add3A_34, %dma_wait3A_135] : memref<475136x128xf32, #tpu.memory_space<hbm>> -> memref<928x128xf32, #tpu.memory_space<hbm>>
      tpu.wait_dma2 semaphore(%run_scoped3A : memref<!tpu.dma_semaphore, #tpu.memory_space<semaphore_mem>>) src(%arg6 : memref<928x128xf32, #tpu.memory_space<vmem>>) dst(%dma_wait3A_136 : memref<928x128xf32, #tpu.memory_space<hbm>>)
      tpu.yield
    }) : () -> ()
    %add3A_41 = arith.constant 4640 : i32
    %add3A_42 = arith.addi %mul3A_2, %add3A_41 : i32
    "tpu.region"() ({
      %run_scoped3A = tpu.sem_alloc : memref<!tpu.dma_semaphore, #tpu.memory_space<semaphore_mem>>
      %dma_start3A_129 = tpu.memref_slice %arg3[%add3A_42] : memref<475136xi32, #tpu.memory_space<hbm>> -> memref<928xi32, #tpu.memory_space<hbm>>
      %dma_start3A_130 = tpu.memref_slice %arg3[%add3A_42] : memref<475136xi32, #tpu.memory_space<hbm>> -> memref<928xi32, #tpu.memory_space<hbm>>
      tpu.enqueue_dma source(%dma_start3A_130 : memref<928xi32, #tpu.memory_space<hbm>>) target(%arg5 : memref<928xi32, #tpu.memory_space<vmem>>) target_semaphore(%run_scoped3A : memref<!tpu.dma_semaphore, #tpu.memory_space<semaphore_mem>>)
      %dma_wait3A_131 = tpu.memref_slice %arg3[%add3A_42] : memref<475136xi32, #tpu.memory_space<hbm>> -> memref<928xi32, #tpu.memory_space<hbm>>
      %dma_wait3A_132 = tpu.memref_slice %arg3[%add3A_42] : memref<475136xi32, #tpu.memory_space<hbm>> -> memref<928xi32, #tpu.memory_space<hbm>>
      tpu.wait_dma2 semaphore(%run_scoped3A : memref<!tpu.dma_semaphore, #tpu.memory_space<semaphore_mem>>) src(%dma_wait3A_132 : memref<928xi32, #tpu.memory_space<hbm>>) dst(%arg5 : memref<928xi32, #tpu.memory_space<vmem>>)
      tpu.yield
    }) : () -> ()
    %dma_start3A_43 = arith.constant 0 : i32
    %dma_start3A_44 = arith.constant 0 : i32
    %dma_start3A_45 = tpu.memref_slice %arg2[%dma_start3A_43, %dma_start3A_44] : memref<524288x128xf32, #tpu.memory_space<hbm>> -> memref<524288x128xf32, #tpu.memory_space<hbm>>
    tpu.enqueue_indirect_dma source(%dma_start3A_45 : memref<524288x128xf32, #tpu.memory_space<hbm>>) target(%arg6 : memref<928x128xf32, #tpu.memory_space<vmem>>) offsets(%arg5 : memref<928xi32, #tpu.memory_space<vmem>>) semaphore(%arg7 : memref<!tpu.dma_semaphore, #tpu.memory_space<semaphore_mem>>)
    %dma_wait3A_46 = arith.constant 0 : i32
    %dma_wait3A_47 = arith.constant 0 : i32
    %dma_wait3A_48 = tpu.memref_slice %arg2[%dma_wait3A_46, %dma_wait3A_47] : memref<524288x128xf32, #tpu.memory_space<hbm>> -> memref<524288x128xf32, #tpu.memory_space<hbm>>
    tpu.wait_indirect_dma semaphore(%arg7 : memref<!tpu.dma_semaphore, #tpu.memory_space<semaphore_mem>>) src(%dma_wait3A_48 : memref<524288x128xf32, #tpu.memory_space<hbm>>) dst(%arg6 : memref<928x128xf32, #tpu.memory_space<vmem>>)
    "tpu.region"() ({
      %run_scoped3A = tpu.sem_alloc : memref<!tpu.dma_semaphore, #tpu.memory_space<semaphore_mem>>
      %dma_start3A_129 = arith.constant 0 : i32
      %dma_start3A_130 = tpu.memref_slice %arg4[%add3A_42, %dma_start3A_129] : memref<475136x128xf32, #tpu.memory_space<hbm>> -> memref<928x128xf32, #tpu.memory_space<hbm>>
      %dma_start3A_131 = arith.constant 0 : i32
      %dma_start3A_132 = tpu.memref_slice %arg4[%add3A_42, %dma_start3A_131] : memref<475136x128xf32, #tpu.memory_space<hbm>> -> memref<928x128xf32, #tpu.memory_space<hbm>>
      tpu.enqueue_dma source(%arg6 : memref<928x128xf32, #tpu.memory_space<vmem>>) target(%dma_start3A_132 : memref<928x128xf32, #tpu.memory_space<hbm>>) target_semaphore(%run_scoped3A : memref<!tpu.dma_semaphore, #tpu.memory_space<semaphore_mem>>)
      %dma_wait3A_133 = arith.constant 0 : i32
      %dma_wait3A_134 = tpu.memref_slice %arg4[%add3A_42, %dma_wait3A_133] : memref<475136x128xf32, #tpu.memory_space<hbm>> -> memref<928x128xf32, #tpu.memory_space<hbm>>
      %dma_wait3A_135 = arith.constant 0 : i32
      %dma_wait3A_136 = tpu.memref_slice %arg4[%add3A_42, %dma_wait3A_135] : memref<475136x128xf32, #tpu.memory_space<hbm>> -> memref<928x128xf32, #tpu.memory_space<hbm>>
      tpu.wait_dma2 semaphore(%run_scoped3A : memref<!tpu.dma_semaphore, #tpu.memory_space<semaphore_mem>>) src(%arg6 : memref<928x128xf32, #tpu.memory_space<vmem>>) dst(%dma_wait3A_136 : memref<928x128xf32, #tpu.memory_space<hbm>>)
      tpu.yield
    }) : () -> ()
    %add3A_49 = arith.constant 5568 : i32
    %add3A_50 = arith.addi %mul3A_2, %add3A_49 : i32
    "tpu.region"() ({
      %run_scoped3A = tpu.sem_alloc : memref<!tpu.dma_semaphore, #tpu.memory_space<semaphore_mem>>
      %dma_start3A_129 = tpu.memref_slice %arg3[%add3A_50] : memref<475136xi32, #tpu.memory_space<hbm>> -> memref<928xi32, #tpu.memory_space<hbm>>
      %dma_start3A_130 = tpu.memref_slice %arg3[%add3A_50] : memref<475136xi32, #tpu.memory_space<hbm>> -> memref<928xi32, #tpu.memory_space<hbm>>
      tpu.enqueue_dma source(%dma_start3A_130 : memref<928xi32, #tpu.memory_space<hbm>>) target(%arg5 : memref<928xi32, #tpu.memory_space<vmem>>) target_semaphore(%run_scoped3A : memref<!tpu.dma_semaphore, #tpu.memory_space<semaphore_mem>>)
      %dma_wait3A_131 = tpu.memref_slice %arg3[%add3A_50] : memref<475136xi32, #tpu.memory_space<hbm>> -> memref<928xi32, #tpu.memory_space<hbm>>
      %dma_wait3A_132 = tpu.memref_slice %arg3[%add3A_50] : memref<475136xi32, #tpu.memory_space<hbm>> -> memref<928xi32, #tpu.memory_space<hbm>>
      tpu.wait_dma2 semaphore(%run_scoped3A : memref<!tpu.dma_semaphore, #tpu.memory_space<semaphore_mem>>) src(%dma_wait3A_132 : memref<928xi32, #tpu.memory_space<hbm>>) dst(%arg5 : memref<928xi32, #tpu.memory_space<vmem>>)
      tpu.yield
    }) : () -> ()
    %dma_start3A_51 = arith.constant 0 : i32
    %dma_start3A_52 = arith.constant 0 : i32
    %dma_start3A_53 = tpu.memref_slice %arg2[%dma_start3A_51, %dma_start3A_52] : memref<524288x128xf32, #tpu.memory_space<hbm>> -> memref<524288x128xf32, #tpu.memory_space<hbm>>
    tpu.enqueue_indirect_dma source(%dma_start3A_53 : memref<524288x128xf32, #tpu.memory_space<hbm>>) target(%arg6 : memref<928x128xf32, #tpu.memory_space<vmem>>) offsets(%arg5 : memref<928xi32, #tpu.memory_space<vmem>>) semaphore(%arg7 : memref<!tpu.dma_semaphore, #tpu.memory_space<semaphore_mem>>)
    %dma_wait3A_54 = arith.constant 0 : i32
    %dma_wait3A_55 = arith.constant 0 : i32
    %dma_wait3A_56 = tpu.memref_slice %arg2[%dma_wait3A_54, %dma_wait3A_55] : memref<524288x128xf32, #tpu.memory_space<hbm>> -> memref<524288x128xf32, #tpu.memory_space<hbm>>
    tpu.wait_indirect_dma semaphore(%arg7 : memref<!tpu.dma_semaphore, #tpu.memory_space<semaphore_mem>>) src(%dma_wait3A_56 : memref<524288x128xf32, #tpu.memory_space<hbm>>) dst(%arg6 : memref<928x128xf32, #tpu.memory_space<vmem>>)
    "tpu.region"() ({
      %run_scoped3A = tpu.sem_alloc : memref<!tpu.dma_semaphore, #tpu.memory_space<semaphore_mem>>
      %dma_start3A_129 = arith.constant 0 : i32
      %dma_start3A_130 = tpu.memref_slice %arg4[%add3A_50, %dma_start3A_129] : memref<475136x128xf32, #tpu.memory_space<hbm>> -> memref<928x128xf32, #tpu.memory_space<hbm>>
      %dma_start3A_131 = arith.constant 0 : i32
      %dma_start3A_132 = tpu.memref_slice %arg4[%add3A_50, %dma_start3A_131] : memref<475136x128xf32, #tpu.memory_space<hbm>> -> memref<928x128xf32, #tpu.memory_space<hbm>>
      tpu.enqueue_dma source(%arg6 : memref<928x128xf32, #tpu.memory_space<vmem>>) target(%dma_start3A_132 : memref<928x128xf32, #tpu.memory_space<hbm>>) target_semaphore(%run_scoped3A : memref<!tpu.dma_semaphore, #tpu.memory_space<semaphore_mem>>)
      %dma_wait3A_133 = arith.constant 0 : i32
      %dma_wait3A_134 = tpu.memref_slice %arg4[%add3A_50, %dma_wait3A_133] : memref<475136x128xf32, #tpu.memory_space<hbm>> -> memref<928x128xf32, #tpu.memory_space<hbm>>
      %dma_wait3A_135 = arith.constant 0 : i32
      %dma_wait3A_136 = tpu.memref_slice %arg4[%add3A_50, %dma_wait3A_135] : memref<475136x128xf32, #tpu.memory_space<hbm>> -> memref<928x128xf32, #tpu.memory_space<hbm>>
      tpu.wait_dma2 semaphore(%run_scoped3A : memref<!tpu.dma_semaphore, #tpu.memory_space<semaphore_mem>>) src(%arg6 : memref<928x128xf32, #tpu.memory_space<vmem>>) dst(%dma_wait3A_136 : memref<928x128xf32, #tpu.memory_space<hbm>>)
      tpu.yield
    }) : () -> ()
    %add3A_57 = arith.constant 6496 : i32
    %add3A_58 = arith.addi %mul3A_2, %add3A_57 : i32
    "tpu.region"() ({
      %run_scoped3A = tpu.sem_alloc : memref<!tpu.dma_semaphore, #tpu.memory_space<semaphore_mem>>
      %dma_start3A_129 = tpu.memref_slice %arg3[%add3A_58] : memref<475136xi32, #tpu.memory_space<hbm>> -> memref<928xi32, #tpu.memory_space<hbm>>
      %dma_start3A_130 = tpu.memref_slice %arg3[%add3A_58] : memref<475136xi32, #tpu.memory_space<hbm>> -> memref<928xi32, #tpu.memory_space<hbm>>
      tpu.enqueue_dma source(%dma_start3A_130 : memref<928xi32, #tpu.memory_space<hbm>>) target(%arg5 : memref<928xi32, #tpu.memory_space<vmem>>) target_semaphore(%run_scoped3A : memref<!tpu.dma_semaphore, #tpu.memory_space<semaphore_mem>>)
      %dma_wait3A_131 = tpu.memref_slice %arg3[%add3A_58] : memref<475136xi32, #tpu.memory_space<hbm>> -> memref<928xi32, #tpu.memory_space<hbm>>
      %dma_wait3A_132 = tpu.memref_slice %arg3[%add3A_58] : memref<475136xi32, #tpu.memory_space<hbm>> -> memref<928xi32, #tpu.memory_space<hbm>>
      tpu.wait_dma2 semaphore(%run_scoped3A : memref<!tpu.dma_semaphore, #tpu.memory_space<semaphore_mem>>) src(%dma_wait3A_132 : memref<928xi32, #tpu.memory_space<hbm>>) dst(%arg5 : memref<928xi32, #tpu.memory_space<vmem>>)
      tpu.yield
    }) : () -> ()
    %dma_start3A_59 = arith.constant 0 : i32
    %dma_start3A_60 = arith.constant 0 : i32
    %dma_start3A_61 = tpu.memref_slice %arg2[%dma_start3A_59, %dma_start3A_60] : memref<524288x128xf32, #tpu.memory_space<hbm>> -> memref<524288x128xf32, #tpu.memory_space<hbm>>
    tpu.enqueue_indirect_dma source(%dma_start3A_61 : memref<524288x128xf32, #tpu.memory_space<hbm>>) target(%arg6 : memref<928x128xf32, #tpu.memory_space<vmem>>) offsets(%arg5 : memref<928xi32, #tpu.memory_space<vmem>>) semaphore(%arg7 : memref<!tpu.dma_semaphore, #tpu.memory_space<semaphore_mem>>)
    %dma_wait3A_62 = arith.constant 0 : i32
    %dma_wait3A_63 = arith.constant 0 : i32
    %dma_wait3A_64 = tpu.memref_slice %arg2[%dma_wait3A_62, %dma_wait3A_63] : memref<524288x128xf32, #tpu.memory_space<hbm>> -> memref<524288x128xf32, #tpu.memory_space<hbm>>
    tpu.wait_indirect_dma semaphore(%arg7 : memref<!tpu.dma_semaphore, #tpu.memory_space<semaphore_mem>>) src(%dma_wait3A_64 : memref<524288x128xf32, #tpu.memory_space<hbm>>) dst(%arg6 : memref<928x128xf32, #tpu.memory_space<vmem>>)
    "tpu.region"() ({
      %run_scoped3A = tpu.sem_alloc : memref<!tpu.dma_semaphore, #tpu.memory_space<semaphore_mem>>
      %dma_start3A_129 = arith.constant 0 : i32
      %dma_start3A_130 = tpu.memref_slice %arg4[%add3A_58, %dma_start3A_129] : memref<475136x128xf32, #tpu.memory_space<hbm>> -> memref<928x128xf32, #tpu.memory_space<hbm>>
      %dma_start3A_131 = arith.constant 0 : i32
      %dma_start3A_132 = tpu.memref_slice %arg4[%add3A_58, %dma_start3A_131] : memref<475136x128xf32, #tpu.memory_space<hbm>> -> memref<928x128xf32, #tpu.memory_space<hbm>>
      tpu.enqueue_dma source(%arg6 : memref<928x128xf32, #tpu.memory_space<vmem>>) target(%dma_start3A_132 : memref<928x128xf32, #tpu.memory_space<hbm>>) target_semaphore(%run_scoped3A : memref<!tpu.dma_semaphore, #tpu.memory_space<semaphore_mem>>)
      %dma_wait3A_133 = arith.constant 0 : i32
      %dma_wait3A_134 = tpu.memref_slice %arg4[%add3A_58, %dma_wait3A_133] : memref<475136x128xf32, #tpu.memory_space<hbm>> -> memref<928x128xf32, #tpu.memory_space<hbm>>
      %dma_wait3A_135 = arith.constant 0 : i32
      %dma_wait3A_136 = tpu.memref_slice %arg4[%add3A_58, %dma_wait3A_135] : memref<475136x128xf32, #tpu.memory_space<hbm>> -> memref<928x128xf32, #tpu.memory_space<hbm>>
      tpu.wait_dma2 semaphore(%run_scoped3A : memref<!tpu.dma_semaphore, #tpu.memory_space<semaphore_mem>>) src(%arg6 : memref<928x128xf32, #tpu.memory_space<vmem>>) dst(%dma_wait3A_136 : memref<928x128xf32, #tpu.memory_space<hbm>>)
      tpu.yield
    }) : () -> ()
    %add3A_65 = arith.constant 7424 : i32
    %add3A_66 = arith.addi %mul3A_2, %add3A_65 : i32
    "tpu.region"() ({
      %run_scoped3A = tpu.sem_alloc : memref<!tpu.dma_semaphore, #tpu.memory_space<semaphore_mem>>
      %dma_start3A_129 = tpu.memref_slice %arg3[%add3A_66] : memref<475136xi32, #tpu.memory_space<hbm>> -> memref<928xi32, #tpu.memory_space<hbm>>
      %dma_start3A_130 = tpu.memref_slice %arg3[%add3A_66] : memref<475136xi32, #tpu.memory_space<hbm>> -> memref<928xi32, #tpu.memory_space<hbm>>
      tpu.enqueue_dma source(%dma_start3A_130 : memref<928xi32, #tpu.memory_space<hbm>>) target(%arg5 : memref<928xi32, #tpu.memory_space<vmem>>) target_semaphore(%run_scoped3A : memref<!tpu.dma_semaphore, #tpu.memory_space<semaphore_mem>>)
      %dma_wait3A_131 = tpu.memref_slice %arg3[%add3A_66] : memref<475136xi32, #tpu.memory_space<hbm>> -> memref<928xi32, #tpu.memory_space<hbm>>
      %dma_wait3A_132 = tpu.memref_slice %arg3[%add3A_66] : memref<475136xi32, #tpu.memory_space<hbm>> -> memref<928xi32, #tpu.memory_space<hbm>>
      tpu.wait_dma2 semaphore(%run_scoped3A : memref<!tpu.dma_semaphore, #tpu.memory_space<semaphore_mem>>) src(%dma_wait3A_132 : memref<928xi32, #tpu.memory_space<hbm>>) dst(%arg5 : memref<928xi32, #tpu.memory_space<vmem>>)
      tpu.yield
    }) : () -> ()
    %dma_start3A_67 = arith.constant 0 : i32
    %dma_start3A_68 = arith.constant 0 : i32
    %dma_start3A_69 = tpu.memref_slice %arg2[%dma_start3A_67, %dma_start3A_68] : memref<524288x128xf32, #tpu.memory_space<hbm>> -> memref<524288x128xf32, #tpu.memory_space<hbm>>
    tpu.enqueue_indirect_dma source(%dma_start3A_69 : memref<524288x128xf32, #tpu.memory_space<hbm>>) target(%arg6 : memref<928x128xf32, #tpu.memory_space<vmem>>) offsets(%arg5 : memref<928xi32, #tpu.memory_space<vmem>>) semaphore(%arg7 : memref<!tpu.dma_semaphore, #tpu.memory_space<semaphore_mem>>)
    %dma_wait3A_70 = arith.constant 0 : i32
    %dma_wait3A_71 = arith.constant 0 : i32
    %dma_wait3A_72 = tpu.memref_slice %arg2[%dma_wait3A_70, %dma_wait3A_71] : memref<524288x128xf32, #tpu.memory_space<hbm>> -> memref<524288x128xf32, #tpu.memory_space<hbm>>
    tpu.wait_indirect_dma semaphore(%arg7 : memref<!tpu.dma_semaphore, #tpu.memory_space<semaphore_mem>>) src(%dma_wait3A_72 : memref<524288x128xf32, #tpu.memory_space<hbm>>) dst(%arg6 : memref<928x128xf32, #tpu.memory_space<vmem>>)
    "tpu.region"() ({
      %run_scoped3A = tpu.sem_alloc : memref<!tpu.dma_semaphore, #tpu.memory_space<semaphore_mem>>
      %dma_start3A_129 = arith.constant 0 : i32
      %dma_start3A_130 = tpu.memref_slice %arg4[%add3A_66, %dma_start3A_129] : memref<475136x128xf32, #tpu.memory_space<hbm>> -> memref<928x128xf32, #tpu.memory_space<hbm>>
      %dma_start3A_131 = arith.constant 0 : i32
      %dma_start3A_132 = tpu.memref_slice %arg4[%add3A_66, %dma_start3A_131] : memref<475136x128xf32, #tpu.memory_space<hbm>> -> memref<928x128xf32, #tpu.memory_space<hbm>>
      tpu.enqueue_dma source(%arg6 : memref<928x128xf32, #tpu.memory_space<vmem>>) target(%dma_start3A_132 : memref<928x128xf32, #tpu.memory_space<hbm>>) target_semaphore(%run_scoped3A : memref<!tpu.dma_semaphore, #tpu.memory_space<semaphore_mem>>)
      %dma_wait3A_133 = arith.constant 0 : i32
      %dma_wait3A_134 = tpu.memref_slice %arg4[%add3A_66, %dma_wait3A_133] : memref<475136x128xf32, #tpu.memory_space<hbm>> -> memref<928x128xf32, #tpu.memory_space<hbm>>
      %dma_wait3A_135 = arith.constant 0 : i32
      %dma_wait3A_136 = tpu.memref_slice %arg4[%add3A_66, %dma_wait3A_135] : memref<475136x128xf32, #tpu.memory_space<hbm>> -> memref<928x128xf32, #tpu.memory_space<hbm>>
      tpu.wait_dma2 semaphore(%run_scoped3A : memref<!tpu.dma_semaphore, #tpu.memory_space<semaphore_mem>>) src(%arg6 : memref<928x128xf32, #tpu.memory_space<vmem>>) dst(%dma_wait3A_136 : memref<928x128xf32, #tpu.memory_space<hbm>>)
      tpu.yield
    }) : () -> ()
    %add3A_73 = arith.constant 8352 : i32
    %add3A_74 = arith.addi %mul3A_2, %add3A_73 : i32
    "tpu.region"() ({
      %run_scoped3A = tpu.sem_alloc : memref<!tpu.dma_semaphore, #tpu.memory_space<semaphore_mem>>
      %dma_start3A_129 = tpu.memref_slice %arg3[%add3A_74] : memref<475136xi32, #tpu.memory_space<hbm>> -> memref<928xi32, #tpu.memory_space<hbm>>
      %dma_start3A_130 = tpu.memref_slice %arg3[%add3A_74] : memref<475136xi32, #tpu.memory_space<hbm>> -> memref<928xi32, #tpu.memory_space<hbm>>
      tpu.enqueue_dma source(%dma_start3A_130 : memref<928xi32, #tpu.memory_space<hbm>>) target(%arg5 : memref<928xi32, #tpu.memory_space<vmem>>) target_semaphore(%run_scoped3A : memref<!tpu.dma_semaphore, #tpu.memory_space<semaphore_mem>>)
      %dma_wait3A_131 = tpu.memref_slice %arg3[%add3A_74] : memref<475136xi32, #tpu.memory_space<hbm>> -> memref<928xi32, #tpu.memory_space<hbm>>
      %dma_wait3A_132 = tpu.memref_slice %arg3[%add3A_74] : memref<475136xi32, #tpu.memory_space<hbm>> -> memref<928xi32, #tpu.memory_space<hbm>>
      tpu.wait_dma2 semaphore(%run_scoped3A : memref<!tpu.dma_semaphore, #tpu.memory_space<semaphore_mem>>) src(%dma_wait3A_132 : memref<928xi32, #tpu.memory_space<hbm>>) dst(%arg5 : memref<928xi32, #tpu.memory_space<vmem>>)
      tpu.yield
    }) : () -> ()
    %dma_start3A_75 = arith.constant 0 : i32
    %dma_start3A_76 = arith.constant 0 : i32
    %dma_start3A_77 = tpu.memref_slice %arg2[%dma_start3A_75, %dma_start3A_76] : memref<524288x128xf32, #tpu.memory_space<hbm>> -> memref<524288x128xf32, #tpu.memory_space<hbm>>
    tpu.enqueue_indirect_dma source(%dma_start3A_77 : memref<524288x128xf32, #tpu.memory_space<hbm>>) target(%arg6 : memref<928x128xf32, #tpu.memory_space<vmem>>) offsets(%arg5 : memref<928xi32, #tpu.memory_space<vmem>>) semaphore(%arg7 : memref<!tpu.dma_semaphore, #tpu.memory_space<semaphore_mem>>)
    %dma_wait3A_78 = arith.constant 0 : i32
    %dma_wait3A_79 = arith.constant 0 : i32
    %dma_wait3A_80 = tpu.memref_slice %arg2[%dma_wait3A_78, %dma_wait3A_79] : memref<524288x128xf32, #tpu.memory_space<hbm>> -> memref<524288x128xf32, #tpu.memory_space<hbm>>
    tpu.wait_indirect_dma semaphore(%arg7 : memref<!tpu.dma_semaphore, #tpu.memory_space<semaphore_mem>>) src(%dma_wait3A_80 : memref<524288x128xf32, #tpu.memory_space<hbm>>) dst(%arg6 : memref<928x128xf32, #tpu.memory_space<vmem>>)
    "tpu.region"() ({
      %run_scoped3A = tpu.sem_alloc : memref<!tpu.dma_semaphore, #tpu.memory_space<semaphore_mem>>
      %dma_start3A_129 = arith.constant 0 : i32
      %dma_start3A_130 = tpu.memref_slice %arg4[%add3A_74, %dma_start3A_129] : memref<475136x128xf32, #tpu.memory_space<hbm>> -> memref<928x128xf32, #tpu.memory_space<hbm>>
      %dma_start3A_131 = arith.constant 0 : i32
      %dma_start3A_132 = tpu.memref_slice %arg4[%add3A_74, %dma_start3A_131] : memref<475136x128xf32, #tpu.memory_space<hbm>> -> memref<928x128xf32, #tpu.memory_space<hbm>>
      tpu.enqueue_dma source(%arg6 : memref<928x128xf32, #tpu.memory_space<vmem>>) target(%dma_start3A_132 : memref<928x128xf32, #tpu.memory_space<hbm>>) target_semaphore(%run_scoped3A : memref<!tpu.dma_semaphore, #tpu.memory_space<semaphore_mem>>)
      %dma_wait3A_133 = arith.constant 0 : i32
      %dma_wait3A_134 = tpu.memref_slice %arg4[%add3A_74, %dma_wait3A_133] : memref<475136x128xf32, #tpu.memory_space<hbm>> -> memref<928x128xf32, #tpu.memory_space<hbm>>
      %dma_wait3A_135 = arith.constant 0 : i32
      %dma_wait3A_136 = tpu.memref_slice %arg4[%add3A_74, %dma_wait3A_135] : memref<475136x128xf32, #tpu.memory_space<hbm>> -> memref<928x128xf32, #tpu.memory_space<hbm>>
      tpu.wait_dma2 semaphore(%run_scoped3A : memref<!tpu.dma_semaphore, #tpu.memory_space<semaphore_mem>>) src(%arg6 : memref<928x128xf32, #tpu.memory_space<vmem>>) dst(%dma_wait3A_136 : memref<928x128xf32, #tpu.memory_space<hbm>>)
      tpu.yield
    }) : () -> ()
    %add3A_81 = arith.constant 9280 : i32
    %add3A_82 = arith.addi %mul3A_2, %add3A_81 : i32
    "tpu.region"() ({
      %run_scoped3A = tpu.sem_alloc : memref<!tpu.dma_semaphore, #tpu.memory_space<semaphore_mem>>
      %dma_start3A_129 = tpu.memref_slice %arg3[%add3A_82] : memref<475136xi32, #tpu.memory_space<hbm>> -> memref<928xi32, #tpu.memory_space<hbm>>
      %dma_start3A_130 = tpu.memref_slice %arg3[%add3A_82] : memref<475136xi32, #tpu.memory_space<hbm>> -> memref<928xi32, #tpu.memory_space<hbm>>
      tpu.enqueue_dma source(%dma_start3A_130 : memref<928xi32, #tpu.memory_space<hbm>>) target(%arg5 : memref<928xi32, #tpu.memory_space<vmem>>) target_semaphore(%run_scoped3A : memref<!tpu.dma_semaphore, #tpu.memory_space<semaphore_mem>>)
      %dma_wait3A_131 = tpu.memref_slice %arg3[%add3A_82] : memref<475136xi32, #tpu.memory_space<hbm>> -> memref<928xi32, #tpu.memory_space<hbm>>
      %dma_wait3A_132 = tpu.memref_slice %arg3[%add3A_82] : memref<475136xi32, #tpu.memory_space<hbm>> -> memref<928xi32, #tpu.memory_space<hbm>>
      tpu.wait_dma2 semaphore(%run_scoped3A : memref<!tpu.dma_semaphore, #tpu.memory_space<semaphore_mem>>) src(%dma_wait3A_132 : memref<928xi32, #tpu.memory_space<hbm>>) dst(%arg5 : memref<928xi32, #tpu.memory_space<vmem>>)
      tpu.yield
    }) : () -> ()
    %dma_start3A_83 = arith.constant 0 : i32
    %dma_start3A_84 = arith.constant 0 : i32
    %dma_start3A_85 = tpu.memref_slice %arg2[%dma_start3A_83, %dma_start3A_84] : memref<524288x128xf32, #tpu.memory_space<hbm>> -> memref<524288x128xf32, #tpu.memory_space<hbm>>
    tpu.enqueue_indirect_dma source(%dma_start3A_85 : memref<524288x128xf32, #tpu.memory_space<hbm>>) target(%arg6 : memref<928x128xf32, #tpu.memory_space<vmem>>) offsets(%arg5 : memref<928xi32, #tpu.memory_space<vmem>>) semaphore(%arg7 : memref<!tpu.dma_semaphore, #tpu.memory_space<semaphore_mem>>)
    %dma_wait3A_86 = arith.constant 0 : i32
    %dma_wait3A_87 = arith.constant 0 : i32
    %dma_wait3A_88 = tpu.memref_slice %arg2[%dma_wait3A_86, %dma_wait3A_87] : memref<524288x128xf32, #tpu.memory_space<hbm>> -> memref<524288x128xf32, #tpu.memory_space<hbm>>
    tpu.wait_indirect_dma semaphore(%arg7 : memref<!tpu.dma_semaphore, #tpu.memory_space<semaphore_mem>>) src(%dma_wait3A_88 : memref<524288x128xf32, #tpu.memory_space<hbm>>) dst(%arg6 : memref<928x128xf32, #tpu.memory_space<vmem>>)
    "tpu.region"() ({
      %run_scoped3A = tpu.sem_alloc : memref<!tpu.dma_semaphore, #tpu.memory_space<semaphore_mem>>
      %dma_start3A_129 = arith.constant 0 : i32
      %dma_start3A_130 = tpu.memref_slice %arg4[%add3A_82, %dma_start3A_129] : memref<475136x128xf32, #tpu.memory_space<hbm>> -> memref<928x128xf32, #tpu.memory_space<hbm>>
      %dma_start3A_131 = arith.constant 0 : i32
      %dma_start3A_132 = tpu.memref_slice %arg4[%add3A_82, %dma_start3A_131] : memref<475136x128xf32, #tpu.memory_space<hbm>> -> memref<928x128xf32, #tpu.memory_space<hbm>>
      tpu.enqueue_dma source(%arg6 : memref<928x128xf32, #tpu.memory_space<vmem>>) target(%dma_start3A_132 : memref<928x128xf32, #tpu.memory_space<hbm>>) target_semaphore(%run_scoped3A : memref<!tpu.dma_semaphore, #tpu.memory_space<semaphore_mem>>)
      %dma_wait3A_133 = arith.constant 0 : i32
      %dma_wait3A_134 = tpu.memref_slice %arg4[%add3A_82, %dma_wait3A_133] : memref<475136x128xf32, #tpu.memory_space<hbm>> -> memref<928x128xf32, #tpu.memory_space<hbm>>
      %dma_wait3A_135 = arith.constant 0 : i32
      %dma_wait3A_136 = tpu.memref_slice %arg4[%add3A_82, %dma_wait3A_135] : memref<475136x128xf32, #tpu.memory_space<hbm>> -> memref<928x128xf32, #tpu.memory_space<hbm>>
      tpu.wait_dma2 semaphore(%run_scoped3A : memref<!tpu.dma_semaphore, #tpu.memory_space<semaphore_mem>>) src(%arg6 : memref<928x128xf32, #tpu.memory_space<vmem>>) dst(%dma_wait3A_136 : memref<928x128xf32, #tpu.memory_space<hbm>>)
      tpu.yield
    }) : () -> ()
    %add3A_89 = arith.constant 10208 : i32
    %add3A_90 = arith.addi %mul3A_2, %add3A_89 : i32
    "tpu.region"() ({
      %run_scoped3A = tpu.sem_alloc : memref<!tpu.dma_semaphore, #tpu.memory_space<semaphore_mem>>
      %dma_start3A_129 = tpu.memref_slice %arg3[%add3A_90] : memref<475136xi32, #tpu.memory_space<hbm>> -> memref<928xi32, #tpu.memory_space<hbm>>
      %dma_start3A_130 = tpu.memref_slice %arg3[%add3A_90] : memref<475136xi32, #tpu.memory_space<hbm>> -> memref<928xi32, #tpu.memory_space<hbm>>
      tpu.enqueue_dma source(%dma_start3A_130 : memref<928xi32, #tpu.memory_space<hbm>>) target(%arg5 : memref<928xi32, #tpu.memory_space<vmem>>) target_semaphore(%run_scoped3A : memref<!tpu.dma_semaphore, #tpu.memory_space<semaphore_mem>>)
      %dma_wait3A_131 = tpu.memref_slice %arg3[%add3A_90] : memref<475136xi32, #tpu.memory_space<hbm>> -> memref<928xi32, #tpu.memory_space<hbm>>
      %dma_wait3A_132 = tpu.memref_slice %arg3[%add3A_90] : memref<475136xi32, #tpu.memory_space<hbm>> -> memref<928xi32, #tpu.memory_space<hbm>>
      tpu.wait_dma2 semaphore(%run_scoped3A : memref<!tpu.dma_semaphore, #tpu.memory_space<semaphore_mem>>) src(%dma_wait3A_132 : memref<928xi32, #tpu.memory_space<hbm>>) dst(%arg5 : memref<928xi32, #tpu.memory_space<vmem>>)
      tpu.yield
    }) : () -> ()
    %dma_start3A_91 = arith.constant 0 : i32
    %dma_start3A_92 = arith.constant 0 : i32
    %dma_start3A_93 = tpu.memref_slice %arg2[%dma_start3A_91, %dma_start3A_92] : memref<524288x128xf32, #tpu.memory_space<hbm>> -> memref<524288x128xf32, #tpu.memory_space<hbm>>
    tpu.enqueue_indirect_dma source(%dma_start3A_93 : memref<524288x128xf32, #tpu.memory_space<hbm>>) target(%arg6 : memref<928x128xf32, #tpu.memory_space<vmem>>) offsets(%arg5 : memref<928xi32, #tpu.memory_space<vmem>>) semaphore(%arg7 : memref<!tpu.dma_semaphore, #tpu.memory_space<semaphore_mem>>)
    %dma_wait3A_94 = arith.constant 0 : i32
    %dma_wait3A_95 = arith.constant 0 : i32
    %dma_wait3A_96 = tpu.memref_slice %arg2[%dma_wait3A_94, %dma_wait3A_95] : memref<524288x128xf32, #tpu.memory_space<hbm>> -> memref<524288x128xf32, #tpu.memory_space<hbm>>
    tpu.wait_indirect_dma semaphore(%arg7 : memref<!tpu.dma_semaphore, #tpu.memory_space<semaphore_mem>>) src(%dma_wait3A_96 : memref<524288x128xf32, #tpu.memory_space<hbm>>) dst(%arg6 : memref<928x128xf32, #tpu.memory_space<vmem>>)
    "tpu.region"() ({
      %run_scoped3A = tpu.sem_alloc : memref<!tpu.dma_semaphore, #tpu.memory_space<semaphore_mem>>
      %dma_start3A_129 = arith.constant 0 : i32
      %dma_start3A_130 = tpu.memref_slice %arg4[%add3A_90, %dma_start3A_129] : memref<475136x128xf32, #tpu.memory_space<hbm>> -> memref<928x128xf32, #tpu.memory_space<hbm>>
      %dma_start3A_131 = arith.constant 0 : i32
      %dma_start3A_132 = tpu.memref_slice %arg4[%add3A_90, %dma_start3A_131] : memref<475136x128xf32, #tpu.memory_space<hbm>> -> memref<928x128xf32, #tpu.memory_space<hbm>>
      tpu.enqueue_dma source(%arg6 : memref<928x128xf32, #tpu.memory_space<vmem>>) target(%dma_start3A_132 : memref<928x128xf32, #tpu.memory_space<hbm>>) target_semaphore(%run_scoped3A : memref<!tpu.dma_semaphore, #tpu.memory_space<semaphore_mem>>)
      %dma_wait3A_133 = arith.constant 0 : i32
      %dma_wait3A_134 = tpu.memref_slice %arg4[%add3A_90, %dma_wait3A_133] : memref<475136x128xf32, #tpu.memory_space<hbm>> -> memref<928x128xf32, #tpu.memory_space<hbm>>
      %dma_wait3A_135 = arith.constant 0 : i32
      %dma_wait3A_136 = tpu.memref_slice %arg4[%add3A_90, %dma_wait3A_135] : memref<475136x128xf32, #tpu.memory_space<hbm>> -> memref<928x128xf32, #tpu.memory_space<hbm>>
      tpu.wait_dma2 semaphore(%run_scoped3A : memref<!tpu.dma_semaphore, #tpu.memory_space<semaphore_mem>>) src(%arg6 : memref<928x128xf32, #tpu.memory_space<vmem>>) dst(%dma_wait3A_136 : memref<928x128xf32, #tpu.memory_space<hbm>>)
      tpu.yield
    }) : () -> ()
    %add3A_97 = arith.constant 11136 : i32
    %add3A_98 = arith.addi %mul3A_2, %add3A_97 : i32
    "tpu.region"() ({
      %run_scoped3A = tpu.sem_alloc : memref<!tpu.dma_semaphore, #tpu.memory_space<semaphore_mem>>
      %dma_start3A_129 = tpu.memref_slice %arg3[%add3A_98] : memref<475136xi32, #tpu.memory_space<hbm>> -> memref<928xi32, #tpu.memory_space<hbm>>
      %dma_start3A_130 = tpu.memref_slice %arg3[%add3A_98] : memref<475136xi32, #tpu.memory_space<hbm>> -> memref<928xi32, #tpu.memory_space<hbm>>
      tpu.enqueue_dma source(%dma_start3A_130 : memref<928xi32, #tpu.memory_space<hbm>>) target(%arg5 : memref<928xi32, #tpu.memory_space<vmem>>) target_semaphore(%run_scoped3A : memref<!tpu.dma_semaphore, #tpu.memory_space<semaphore_mem>>)
      %dma_wait3A_131 = tpu.memref_slice %arg3[%add3A_98] : memref<475136xi32, #tpu.memory_space<hbm>> -> memref<928xi32, #tpu.memory_space<hbm>>
      %dma_wait3A_132 = tpu.memref_slice %arg3[%add3A_98] : memref<475136xi32, #tpu.memory_space<hbm>> -> memref<928xi32, #tpu.memory_space<hbm>>
      tpu.wait_dma2 semaphore(%run_scoped3A : memref<!tpu.dma_semaphore, #tpu.memory_space<semaphore_mem>>) src(%dma_wait3A_132 : memref<928xi32, #tpu.memory_space<hbm>>) dst(%arg5 : memref<928xi32, #tpu.memory_space<vmem>>)
      tpu.yield
    }) : () -> ()
    %dma_start3A_99 = arith.constant 0 : i32
    %dma_start3A_100 = arith.constant 0 : i32
    %dma_start3A_101 = tpu.memref_slice %arg2[%dma_start3A_99, %dma_start3A_100] : memref<524288x128xf32, #tpu.memory_space<hbm>> -> memref<524288x128xf32, #tpu.memory_space<hbm>>
    tpu.enqueue_indirect_dma source(%dma_start3A_101 : memref<524288x128xf32, #tpu.memory_space<hbm>>) target(%arg6 : memref<928x128xf32, #tpu.memory_space<vmem>>) offsets(%arg5 : memref<928xi32, #tpu.memory_space<vmem>>) semaphore(%arg7 : memref<!tpu.dma_semaphore, #tpu.memory_space<semaphore_mem>>)
    %dma_wait3A_102 = arith.constant 0 : i32
    %dma_wait3A_103 = arith.constant 0 : i32
    %dma_wait3A_104 = tpu.memref_slice %arg2[%dma_wait3A_102, %dma_wait3A_103] : memref<524288x128xf32, #tpu.memory_space<hbm>> -> memref<524288x128xf32, #tpu.memory_space<hbm>>
    tpu.wait_indirect_dma semaphore(%arg7 : memref<!tpu.dma_semaphore, #tpu.memory_space<semaphore_mem>>) src(%dma_wait3A_104 : memref<524288x128xf32, #tpu.memory_space<hbm>>) dst(%arg6 : memref<928x128xf32, #tpu.memory_space<vmem>>)
    "tpu.region"() ({
      %run_scoped3A = tpu.sem_alloc : memref<!tpu.dma_semaphore, #tpu.memory_space<semaphore_mem>>
      %dma_start3A_129 = arith.constant 0 : i32
      %dma_start3A_130 = tpu.memref_slice %arg4[%add3A_98, %dma_start3A_129] : memref<475136x128xf32, #tpu.memory_space<hbm>> -> memref<928x128xf32, #tpu.memory_space<hbm>>
      %dma_start3A_131 = arith.constant 0 : i32
      %dma_start3A_132 = tpu.memref_slice %arg4[%add3A_98, %dma_start3A_131] : memref<475136x128xf32, #tpu.memory_space<hbm>> -> memref<928x128xf32, #tpu.memory_space<hbm>>
      tpu.enqueue_dma source(%arg6 : memref<928x128xf32, #tpu.memory_space<vmem>>) target(%dma_start3A_132 : memref<928x128xf32, #tpu.memory_space<hbm>>) target_semaphore(%run_scoped3A : memref<!tpu.dma_semaphore, #tpu.memory_space<semaphore_mem>>)
      %dma_wait3A_133 = arith.constant 0 : i32
      %dma_wait3A_134 = tpu.memref_slice %arg4[%add3A_98, %dma_wait3A_133] : memref<475136x128xf32, #tpu.memory_space<hbm>> -> memref<928x128xf32, #tpu.memory_space<hbm>>
      %dma_wait3A_135 = arith.constant 0 : i32
      %dma_wait3A_136 = tpu.memref_slice %arg4[%add3A_98, %dma_wait3A_135] : memref<475136x128xf32, #tpu.memory_space<hbm>> -> memref<928x128xf32, #tpu.memory_space<hbm>>
      tpu.wait_dma2 semaphore(%run_scoped3A : memref<!tpu.dma_semaphore, #tpu.memory_space<semaphore_mem>>) src(%arg6 : memref<928x128xf32, #tpu.memory_space<vmem>>) dst(%dma_wait3A_136 : memref<928x128xf32, #tpu.memory_space<hbm>>)
      tpu.yield
    }) : () -> ()
    %add3A_105 = arith.constant 12064 : i32
    %add3A_106 = arith.addi %mul3A_2, %add3A_105 : i32
    "tpu.region"() ({
      %run_scoped3A = tpu.sem_alloc : memref<!tpu.dma_semaphore, #tpu.memory_space<semaphore_mem>>
      %dma_start3A_129 = tpu.memref_slice %arg3[%add3A_106] : memref<475136xi32, #tpu.memory_space<hbm>> -> memref<928xi32, #tpu.memory_space<hbm>>
      %dma_start3A_130 = tpu.memref_slice %arg3[%add3A_106] : memref<475136xi32, #tpu.memory_space<hbm>> -> memref<928xi32, #tpu.memory_space<hbm>>
      tpu.enqueue_dma source(%dma_start3A_130 : memref<928xi32, #tpu.memory_space<hbm>>) target(%arg5 : memref<928xi32, #tpu.memory_space<vmem>>) target_semaphore(%run_scoped3A : memref<!tpu.dma_semaphore, #tpu.memory_space<semaphore_mem>>)
      %dma_wait3A_131 = tpu.memref_slice %arg3[%add3A_106] : memref<475136xi32, #tpu.memory_space<hbm>> -> memref<928xi32, #tpu.memory_space<hbm>>
      %dma_wait3A_132 = tpu.memref_slice %arg3[%add3A_106] : memref<475136xi32, #tpu.memory_space<hbm>> -> memref<928xi32, #tpu.memory_space<hbm>>
      tpu.wait_dma2 semaphore(%run_scoped3A : memref<!tpu.dma_semaphore, #tpu.memory_space<semaphore_mem>>) src(%dma_wait3A_132 : memref<928xi32, #tpu.memory_space<hbm>>) dst(%arg5 : memref<928xi32, #tpu.memory_space<vmem>>)
      tpu.yield
    }) : () -> ()
    %dma_start3A_107 = arith.constant 0 : i32
    %dma_start3A_108 = arith.constant 0 : i32
    %dma_start3A_109 = tpu.memref_slice %arg2[%dma_start3A_107, %dma_start3A_108] : memref<524288x128xf32, #tpu.memory_space<hbm>> -> memref<524288x128xf32, #tpu.memory_space<hbm>>
    tpu.enqueue_indirect_dma source(%dma_start3A_109 : memref<524288x128xf32, #tpu.memory_space<hbm>>) target(%arg6 : memref<928x128xf32, #tpu.memory_space<vmem>>) offsets(%arg5 : memref<928xi32, #tpu.memory_space<vmem>>) semaphore(%arg7 : memref<!tpu.dma_semaphore, #tpu.memory_space<semaphore_mem>>)
    %dma_wait3A_110 = arith.constant 0 : i32
    %dma_wait3A_111 = arith.constant 0 : i32
    %dma_wait3A_112 = tpu.memref_slice %arg2[%dma_wait3A_110, %dma_wait3A_111] : memref<524288x128xf32, #tpu.memory_space<hbm>> -> memref<524288x128xf32, #tpu.memory_space<hbm>>
    tpu.wait_indirect_dma semaphore(%arg7 : memref<!tpu.dma_semaphore, #tpu.memory_space<semaphore_mem>>) src(%dma_wait3A_112 : memref<524288x128xf32, #tpu.memory_space<hbm>>) dst(%arg6 : memref<928x128xf32, #tpu.memory_space<vmem>>)
    "tpu.region"() ({
      %run_scoped3A = tpu.sem_alloc : memref<!tpu.dma_semaphore, #tpu.memory_space<semaphore_mem>>
      %dma_start3A_129 = arith.constant 0 : i32
      %dma_start3A_130 = tpu.memref_slice %arg4[%add3A_106, %dma_start3A_129] : memref<475136x128xf32, #tpu.memory_space<hbm>> -> memref<928x128xf32, #tpu.memory_space<hbm>>
      %dma_start3A_131 = arith.constant 0 : i32
      %dma_start3A_132 = tpu.memref_slice %arg4[%add3A_106, %dma_start3A_131] : memref<475136x128xf32, #tpu.memory_space<hbm>> -> memref<928x128xf32, #tpu.memory_space<hbm>>
      tpu.enqueue_dma source(%arg6 : memref<928x128xf32, #tpu.memory_space<vmem>>) target(%dma_start3A_132 : memref<928x128xf32, #tpu.memory_space<hbm>>) target_semaphore(%run_scoped3A : memref<!tpu.dma_semaphore, #tpu.memory_space<semaphore_mem>>)
      %dma_wait3A_133 = arith.constant 0 : i32
      %dma_wait3A_134 = tpu.memref_slice %arg4[%add3A_106, %dma_wait3A_133] : memref<475136x128xf32, #tpu.memory_space<hbm>> -> memref<928x128xf32, #tpu.memory_space<hbm>>
      %dma_wait3A_135 = arith.constant 0 : i32
      %dma_wait3A_136 = tpu.memref_slice %arg4[%add3A_106, %dma_wait3A_135] : memref<475136x128xf32, #tpu.memory_space<hbm>> -> memref<928x128xf32, #tpu.memory_space<hbm>>
      tpu.wait_dma2 semaphore(%run_scoped3A : memref<!tpu.dma_semaphore, #tpu.memory_space<semaphore_mem>>) src(%arg6 : memref<928x128xf32, #tpu.memory_space<vmem>>) dst(%dma_wait3A_136 : memref<928x128xf32, #tpu.memory_space<hbm>>)
      tpu.yield
    }) : () -> ()
    %add3A_113 = arith.constant 12992 : i32
    %add3A_114 = arith.addi %mul3A_2, %add3A_113 : i32
    "tpu.region"() ({
      %run_scoped3A = tpu.sem_alloc : memref<!tpu.dma_semaphore, #tpu.memory_space<semaphore_mem>>
      %dma_start3A_129 = tpu.memref_slice %arg3[%add3A_114] : memref<475136xi32, #tpu.memory_space<hbm>> -> memref<928xi32, #tpu.memory_space<hbm>>
      %dma_start3A_130 = tpu.memref_slice %arg3[%add3A_114] : memref<475136xi32, #tpu.memory_space<hbm>> -> memref<928xi32, #tpu.memory_space<hbm>>
      tpu.enqueue_dma source(%dma_start3A_130 : memref<928xi32, #tpu.memory_space<hbm>>) target(%arg5 : memref<928xi32, #tpu.memory_space<vmem>>) target_semaphore(%run_scoped3A : memref<!tpu.dma_semaphore, #tpu.memory_space<semaphore_mem>>)
      %dma_wait3A_131 = tpu.memref_slice %arg3[%add3A_114] : memref<475136xi32, #tpu.memory_space<hbm>> -> memref<928xi32, #tpu.memory_space<hbm>>
      %dma_wait3A_132 = tpu.memref_slice %arg3[%add3A_114] : memref<475136xi32, #tpu.memory_space<hbm>> -> memref<928xi32, #tpu.memory_space<hbm>>
      tpu.wait_dma2 semaphore(%run_scoped3A : memref<!tpu.dma_semaphore, #tpu.memory_space<semaphore_mem>>) src(%dma_wait3A_132 : memref<928xi32, #tpu.memory_space<hbm>>) dst(%arg5 : memref<928xi32, #tpu.memory_space<vmem>>)
      tpu.yield
    }) : () -> ()
    %dma_start3A_115 = arith.constant 0 : i32
    %dma_start3A_116 = arith.constant 0 : i32
    %dma_start3A_117 = tpu.memref_slice %arg2[%dma_start3A_115, %dma_start3A_116] : memref<524288x128xf32, #tpu.memory_space<hbm>> -> memref<524288x128xf32, #tpu.memory_space<hbm>>
    tpu.enqueue_indirect_dma source(%dma_start3A_117 : memref<524288x128xf32, #tpu.memory_space<hbm>>) target(%arg6 : memref<928x128xf32, #tpu.memory_space<vmem>>) offsets(%arg5 : memref<928xi32, #tpu.memory_space<vmem>>) semaphore(%arg7 : memref<!tpu.dma_semaphore, #tpu.memory_space<semaphore_mem>>)
    %dma_wait3A_118 = arith.constant 0 : i32
    %dma_wait3A_119 = arith.constant 0 : i32
    %dma_wait3A_120 = tpu.memref_slice %arg2[%dma_wait3A_118, %dma_wait3A_119] : memref<524288x128xf32, #tpu.memory_space<hbm>> -> memref<524288x128xf32, #tpu.memory_space<hbm>>
    tpu.wait_indirect_dma semaphore(%arg7 : memref<!tpu.dma_semaphore, #tpu.memory_space<semaphore_mem>>) src(%dma_wait3A_120 : memref<524288x128xf32, #tpu.memory_space<hbm>>) dst(%arg6 : memref<928x128xf32, #tpu.memory_space<vmem>>)
    "tpu.region"() ({
      %run_scoped3A = tpu.sem_alloc : memref<!tpu.dma_semaphore, #tpu.memory_space<semaphore_mem>>
      %dma_start3A_129 = arith.constant 0 : i32
      %dma_start3A_130 = tpu.memref_slice %arg4[%add3A_114, %dma_start3A_129] : memref<475136x128xf32, #tpu.memory_space<hbm>> -> memref<928x128xf32, #tpu.memory_space<hbm>>
      %dma_start3A_131 = arith.constant 0 : i32
      %dma_start3A_132 = tpu.memref_slice %arg4[%add3A_114, %dma_start3A_131] : memref<475136x128xf32, #tpu.memory_space<hbm>> -> memref<928x128xf32, #tpu.memory_space<hbm>>
      tpu.enqueue_dma source(%arg6 : memref<928x128xf32, #tpu.memory_space<vmem>>) target(%dma_start3A_132 : memref<928x128xf32, #tpu.memory_space<hbm>>) target_semaphore(%run_scoped3A : memref<!tpu.dma_semaphore, #tpu.memory_space<semaphore_mem>>)
      %dma_wait3A_133 = arith.constant 0 : i32
      %dma_wait3A_134 = tpu.memref_slice %arg4[%add3A_114, %dma_wait3A_133] : memref<475136x128xf32, #tpu.memory_space<hbm>> -> memref<928x128xf32, #tpu.memory_space<hbm>>
      %dma_wait3A_135 = arith.constant 0 : i32
      %dma_wait3A_136 = tpu.memref_slice %arg4[%add3A_114, %dma_wait3A_135] : memref<475136x128xf32, #tpu.memory_space<hbm>> -> memref<928x128xf32, #tpu.memory_space<hbm>>
      tpu.wait_dma2 semaphore(%run_scoped3A : memref<!tpu.dma_semaphore, #tpu.memory_space<semaphore_mem>>) src(%arg6 : memref<928x128xf32, #tpu.memory_space<vmem>>) dst(%dma_wait3A_136 : memref<928x128xf32, #tpu.memory_space<hbm>>)
      tpu.yield
    }) : () -> ()
    %add3A_121 = arith.constant 13920 : i32
    %add3A_122 = arith.addi %mul3A_2, %add3A_121 : i32
    "tpu.region"() ({
      %run_scoped3A = tpu.sem_alloc : memref<!tpu.dma_semaphore, #tpu.memory_space<semaphore_mem>>
      %dma_start3A_129 = tpu.memref_slice %arg3[%add3A_122] : memref<475136xi32, #tpu.memory_space<hbm>> -> memref<928xi32, #tpu.memory_space<hbm>>
      %dma_start3A_130 = tpu.memref_slice %arg3[%add3A_122] : memref<475136xi32, #tpu.memory_space<hbm>> -> memref<928xi32, #tpu.memory_space<hbm>>
      tpu.enqueue_dma source(%dma_start3A_130 : memref<928xi32, #tpu.memory_space<hbm>>) target(%arg5 : memref<928xi32, #tpu.memory_space<vmem>>) target_semaphore(%run_scoped3A : memref<!tpu.dma_semaphore, #tpu.memory_space<semaphore_mem>>)
      %dma_wait3A_131 = tpu.memref_slice %arg3[%add3A_122] : memref<475136xi32, #tpu.memory_space<hbm>> -> memref<928xi32, #tpu.memory_space<hbm>>
      %dma_wait3A_132 = tpu.memref_slice %arg3[%add3A_122] : memref<475136xi32, #tpu.memory_space<hbm>> -> memref<928xi32, #tpu.memory_space<hbm>>
      tpu.wait_dma2 semaphore(%run_scoped3A : memref<!tpu.dma_semaphore, #tpu.memory_space<semaphore_mem>>) src(%dma_wait3A_132 : memref<928xi32, #tpu.memory_space<hbm>>) dst(%arg5 : memref<928xi32, #tpu.memory_space<vmem>>)
      tpu.yield
    }) : () -> ()
    %dma_start3A_123 = arith.constant 0 : i32
    %dma_start3A_124 = arith.constant 0 : i32
    %dma_start3A_125 = tpu.memref_slice %arg2[%dma_start3A_123, %dma_start3A_124] : memref<524288x128xf32, #tpu.memory_space<hbm>> -> memref<524288x128xf32, #tpu.memory_space<hbm>>
    tpu.enqueue_indirect_dma source(%dma_start3A_125 : memref<524288x128xf32, #tpu.memory_space<hbm>>) target(%arg6 : memref<928x128xf32, #tpu.memory_space<vmem>>) offsets(%arg5 : memref<928xi32, #tpu.memory_space<vmem>>) semaphore(%arg7 : memref<!tpu.dma_semaphore, #tpu.memory_space<semaphore_mem>>)
    %dma_wait3A_126 = arith.constant 0 : i32
    %dma_wait3A_127 = arith.constant 0 : i32
    %dma_wait3A_128 = tpu.memref_slice %arg2[%dma_wait3A_126, %dma_wait3A_127] : memref<524288x128xf32, #tpu.memory_space<hbm>> -> memref<524288x128xf32, #tpu.memory_space<hbm>>
    tpu.wait_indirect_dma semaphore(%arg7 : memref<!tpu.dma_semaphore, #tpu.memory_space<semaphore_mem>>) src(%dma_wait3A_128 : memref<524288x128xf32, #tpu.memory_space<hbm>>) dst(%arg6 : memref<928x128xf32, #tpu.memory_space<vmem>>)
    "tpu.region"() ({
      %run_scoped3A = tpu.sem_alloc : memref<!tpu.dma_semaphore, #tpu.memory_space<semaphore_mem>>
      %dma_start3A_129 = arith.constant 0 : i32
      %dma_start3A_130 = tpu.memref_slice %arg4[%add3A_122, %dma_start3A_129] : memref<475136x128xf32, #tpu.memory_space<hbm>> -> memref<928x128xf32, #tpu.memory_space<hbm>>
      %dma_start3A_131 = arith.constant 0 : i32
      %dma_start3A_132 = tpu.memref_slice %arg4[%add3A_122, %dma_start3A_131] : memref<475136x128xf32, #tpu.memory_space<hbm>> -> memref<928x128xf32, #tpu.memory_space<hbm>>
      tpu.enqueue_dma source(%arg6 : memref<928x128xf32, #tpu.memory_space<vmem>>) target(%dma_start3A_132 : memref<928x128xf32, #tpu.memory_space<hbm>>) target_semaphore(%run_scoped3A : memref<!tpu.dma_semaphore, #tpu.memory_space<semaphore_mem>>)
      %dma_wait3A_133 = arith.constant 0 : i32
      %dma_wait3A_134 = tpu.memref_slice %arg4[%add3A_122, %dma_wait3A_133] : memref<475136x128xf32, #tpu.memory_space<hbm>> -> memref<928x128xf32, #tpu.memory_space<hbm>>
      %dma_wait3A_135 = arith.constant 0 : i32
      %dma_wait3A_136 = tpu.memref_slice %arg4[%add3A_122, %dma_wait3A_135] : memref<475136x128xf32, #tpu.memory_space<hbm>> -> memref<928x128xf32, #tpu.memory_space<hbm>>
      tpu.wait_dma2 semaphore(%run_scoped3A : memref<!tpu.dma_semaphore, #tpu.memory_space<semaphore_mem>>) src(%arg6 : memref<928x128xf32, #tpu.memory_space<vmem>>) dst(%dma_wait3A_136 : memref<928x128xf32, #tpu.memory_space<hbm>>)
      tpu.yield
    }) : () -> ()
    return
  }
}

module attributes {stable_mosaic.version = 14 : i64} {
  func.func @_mlp_body(%arg0: i32, %arg1: i32, %arg2: memref<1x64x2048xf32, #tpu.memory_space<vmem>>, %arg3: memref<3x2048xf32, #tpu.memory_space<vmem>>, %arg4: memref<67x128xf32, #tpu.memory_space<vmem>>, %arg5: memref<1x128xf32, #tpu.memory_space<vmem>>, %arg6: memref<128x128xf32, #tpu.memory_space<vmem>>, %arg7: memref<1x128xf32, #tpu.memory_space<vmem>>, %arg8: memref<128x32xf32, #tpu.memory_space<vmem>>, %arg9: memref<1x32xf32, #tpu.memory_space<vmem>>, %arg10: memref<32x1xf32, #tpu.memory_space<vmem>>, %arg11: memref<1x1xf32, #tpu.memory_space<vmem>>, %arg12: memref<1x1xf32, #tpu.memory_space<vmem>>, %arg13: memref<64x32xf32, #tpu.memory_space<vmem>>, %arg14: memref<1x32xf32, #tpu.memory_space<vmem>>, %arg15: memref<32x16xf32, #tpu.memory_space<vmem>>, %arg16: memref<1x16xf32, #tpu.memory_space<vmem>>, %arg17: memref<16x128xf32, #tpu.memory_space<vmem>>, %arg18: memref<1x128xf32, #tpu.memory_space<vmem>>, %arg19: memref<2048x128xf32, #tpu.memory_space<vmem>>) attributes {dimension_semantics = [#tpu.dimension_semantics<arbitrary>, #tpu.dimension_semantics<arbitrary>], iteration_bounds = array<i64: 8, 32>, scalar_prefetch = 0 : i64, scratch_operands = 0 : i64, tpu.core_type = #tpu.core_type<tc>, window_params = [{transform_indices = @transform_0, window_bounds = array<i64: 1, 64, 2048>}, {transform_indices = @transform_1, window_bounds = array<i64: 3, 2048>}, {pipeline_mode = #tpu.pipeline_mode<synchronous>, transform_indices = @transform_2, window_bounds = array<i64: 67, 128>}, {pipeline_mode = #tpu.pipeline_mode<synchronous>, transform_indices = @transform_3, window_bounds = array<i64: 1, 128>}, {pipeline_mode = #tpu.pipeline_mode<synchronous>, transform_indices = @transform_4, window_bounds = array<i64: 128, 128>}, {pipeline_mode = #tpu.pipeline_mode<synchronous>, transform_indices = @transform_5, window_bounds = array<i64: 1, 128>}, {pipeline_mode = #tpu.pipeline_mode<synchronous>, transform_indices = @transform_6, window_bounds = array<i64: 128, 32>}, {pipeline_mode = #tpu.pipeline_mode<synchronous>, transform_indices = @transform_7, window_bounds = array<i64: 1, 32>}, {pipeline_mode = #tpu.pipeline_mode<synchronous>, transform_indices = @transform_8, window_bounds = array<i64: 32, 1>}, {pipeline_mode = #tpu.pipeline_mode<synchronous>, transform_indices = @transform_9, window_bounds = array<i64: 1, 1>}, {pipeline_mode = #tpu.pipeline_mode<synchronous>, transform_indices = @transform_10, window_bounds = array<i64: 1, 1>}, {pipeline_mode = #tpu.pipeline_mode<synchronous>, transform_indices = @transform_11, window_bounds = array<i64: 64, 32>}, {pipeline_mode = #tpu.pipeline_mode<synchronous>, transform_indices = @transform_12, window_bounds = array<i64: 1, 32>}, {pipeline_mode = #tpu.pipeline_mode<synchronous>, transform_indices = @transform_13, window_bounds = array<i64: 32, 16>}, {pipeline_mode = #tpu.pipeline_mode<synchronous>, transform_indices = @transform_14, window_bounds = array<i64: 1, 16>}, {pipeline_mode = #tpu.pipeline_mode<synchronous>, transform_indices = @transform_15, window_bounds = array<i64: 16, 128>}, {pipeline_mode = #tpu.pipeline_mode<synchronous>, transform_indices = @transform_16, window_bounds = array<i64: 1, 128>}, {transform_indices = @transform_17, window_bounds = array<i64: 2048, 128>}]} {
    %get3A = arith.constant 0 : index
    %get3A_0 = arith.constant 0 : index
    %get3A_1 = arith.constant 0 : index
    %get3A_2 = vector.load %arg2[%get3A, %get3A_0, %get3A_1] : memref<1x64x2048xf32, #tpu.memory_space<vmem>>, vector<1x64x2048xf32>
    %get3A_3 = vector.shape_cast %get3A_2 : vector<1x64x2048xf32> to vector<64x2048xf32>
    %transpose3A = tpu.transpose %get3A_3, [1, 0] : vector<64x2048xf32> -> vector<2048x64xf32>
    %get3A_4 = arith.constant 0 : index
    %get3A_5 = arith.constant 0 : index
    %get3A_6 = vector.load %arg3[%get3A_4, %get3A_5] : memref<3x2048xf32, #tpu.memory_space<vmem>>, vector<3x2048xf32>
    %transpose3A_7 = tpu.transpose %get3A_6, [1, 0] : vector<3x2048xf32> -> vector<2048x3xf32>
    %concatenate3A = tpu.concatenate %transpose3A, %transpose3A_7 in 1 : vector<2048x64xf32>, vector<2048x3xf32> -> vector<2048x67xf32>
    %get3A_8 = arith.constant 0 : index
    %get3A_9 = arith.constant 0 : index
    %get3A_10 = vector.load %arg4[%get3A_8, %get3A_9] : memref<67x128xf32, #tpu.memory_space<vmem>>, vector<67x128xf32>
    %dot_general3A = arith.constant dense<0.000000e+00> : vector<2048x128xf32>
    %dot_general3A_11 = tpu.matmul %concatenate3A, %get3A_10, %dot_general3A {dimension_numbers = #tpu.dot_dimension_numbers<[1], [0], [0], [1], [0, 0, 1, 1], [], []>, transpose_lhs_hint = false} : vector<2048x67xf32>, vector<67x128xf32>, vector<2048x128xf32> -> vector<2048x128xf32>
    %get3A_12 = arith.constant 0 : index
    %get3A_13 = arith.constant 0 : index
    %get3A_14 = vector.load %arg5[%get3A_12, %get3A_13] : memref<1x128xf32, #tpu.memory_space<vmem>>, vector<1x128xf32>
    %add3A = vector.broadcast %get3A_14 : vector<1x128xf32> to vector<2048x128xf32>
    %add3A_15 = arith.addf %dot_general3A_11, %add3A : vector<2048x128xf32>
    %ge3A = arith.constant 0.000000e+00 : f32
    %ge3A_16 = vector.broadcast %ge3A : f32 to vector<2048x128xf32>
    %ge3A_17 = arith.cmpf oge, %add3A_15, %ge3A_16 : vector<2048x128xf32>
    %mul3A = arith.constant 0.00999999977 : f32
    %mul3A_18 = vector.broadcast %mul3A : f32 to vector<2048x128xf32>
    %mul3A_19 = arith.mulf %mul3A_18, %add3A_15 : vector<2048x128xf32>
    %select_n3A = arith.select %ge3A_17, %add3A_15, %mul3A_19 : vector<2048x128xi1>, vector<2048x128xf32>
    %get3A_20 = arith.constant 0 : index
    %get3A_21 = arith.constant 0 : index
    %get3A_22 = vector.load %arg6[%get3A_20, %get3A_21] : memref<128x128xf32, #tpu.memory_space<vmem>>, vector<128x128xf32>
    %dot_general3A_23 = arith.constant dense<0.000000e+00> : vector<2048x128xf32>
    %dot_general3A_24 = tpu.matmul %select_n3A, %get3A_22, %dot_general3A_23 {dimension_numbers = #tpu.dot_dimension_numbers<[1], [0], [0], [1], [0, 0, 1, 1], [], []>, transpose_lhs_hint = false} : vector<2048x128xf32>, vector<128x128xf32>, vector<2048x128xf32> -> vector<2048x128xf32>
    %get3A_25 = arith.constant 0 : index
    %get3A_26 = arith.constant 0 : index
    %get3A_27 = vector.load %arg7[%get3A_25, %get3A_26] : memref<1x128xf32, #tpu.memory_space<vmem>>, vector<1x128xf32>
    %add3A_28 = vector.broadcast %get3A_27 : vector<1x128xf32> to vector<2048x128xf32>
    %add3A_29 = arith.addf %dot_general3A_24, %add3A_28 : vector<2048x128xf32>
    %ge3A_30 = arith.constant 0.000000e+00 : f32
    %ge3A_31 = vector.broadcast %ge3A_30 : f32 to vector<2048x128xf32>
    %ge3A_32 = arith.cmpf oge, %add3A_29, %ge3A_31 : vector<2048x128xf32>
    %mul3A_33 = arith.constant 0.00999999977 : f32
    %mul3A_34 = vector.broadcast %mul3A_33 : f32 to vector<2048x128xf32>
    %mul3A_35 = arith.mulf %mul3A_34, %add3A_29 : vector<2048x128xf32>
    %select_n3A_36 = arith.select %ge3A_32, %add3A_29, %mul3A_35 : vector<2048x128xi1>, vector<2048x128xf32>
    %get3A_37 = arith.constant 0 : index
    %get3A_38 = arith.constant 0 : index
    %get3A_39 = vector.load %arg8[%get3A_37, %get3A_38] : memref<128x32xf32, #tpu.memory_space<vmem>>, vector<128x32xf32>
    %dot_general3A_40 = arith.constant dense<0.000000e+00> : vector<2048x32xf32>
    %dot_general3A_41 = tpu.matmul %select_n3A_36, %get3A_39, %dot_general3A_40 {dimension_numbers = #tpu.dot_dimension_numbers<[1], [0], [0], [1], [0, 0, 1, 1], [], []>, transpose_lhs_hint = false} : vector<2048x128xf32>, vector<128x32xf32>, vector<2048x32xf32> -> vector<2048x32xf32>
    %get3A_42 = arith.constant 0 : index
    %get3A_43 = arith.constant 0 : index
    %get3A_44 = vector.load %arg9[%get3A_42, %get3A_43] : memref<1x32xf32, #tpu.memory_space<vmem>>, vector<1x32xf32>
    %add3A_45 = vector.broadcast %get3A_44 : vector<1x32xf32> to vector<2048x32xf32>
    %add3A_46 = arith.addf %dot_general3A_41, %add3A_45 : vector<2048x32xf32>
    %max3A = arith.constant 0.000000e+00 : f32
    %max3A_47 = vector.broadcast %max3A : f32 to vector<2048x32xf32>
    %max3A_48 = arith.maximumf %add3A_46, %max3A_47 : vector<2048x32xf32>
    %get3A_49 = arith.constant 0 : index
    %get3A_50 = arith.constant 0 : index
    %get3A_51 = vector.load %arg10[%get3A_49, %get3A_50] : memref<32x1xf32, #tpu.memory_space<vmem>>, vector<32x1xf32>
    %dot_general3A_52 = arith.constant dense<0.000000e+00> : vector<2048x1xf32>
    %dot_general3A_53 = tpu.matmul %max3A_48, %get3A_51, %dot_general3A_52 {dimension_numbers = #tpu.dot_dimension_numbers<[1], [0], [0], [1], [0, 0, 1, 1], [], []>, transpose_lhs_hint = false} : vector<2048x32xf32>, vector<32x1xf32>, vector<2048x1xf32> -> vector<2048x1xf32>
    %get3A_54 = arith.constant 0 : index
    %get3A_55 = arith.constant 0 : index
    %get3A_56 = vector.load %arg11[%get3A_54, %get3A_55] : memref<1x1xf32, #tpu.memory_space<vmem>>, vector<1x1xf32>
    %add3A_57 = vector.broadcast %get3A_56 : vector<1x1xf32> to vector<2048x1xf32>
    %add3A_58 = arith.addf %dot_general3A_53, %add3A_57 : vector<2048x1xf32>
    %get3A_59 = arith.constant 0 : index
    %get3A_60 = arith.constant 0 : index
    %get3A_61 = vector.load %arg12[%get3A_59, %get3A_60] : memref<1x1xf32, #tpu.memory_space<vmem>>, vector<1x1xf32>
    %get3A_62 = vector.extract %get3A_61[0, 0] : f32 from vector<1x1xf32>
    %div3A = vector.broadcast %get3A_62 : f32 to vector<2048x1xf32>
    %div3A_63 = arith.divf %add3A_58, %div3A : vector<2048x1xf32>
    %logistic3A = arith.negf %div3A_63 : vector<2048x1xf32>
    %logistic3A_64 = math.exp %logistic3A : vector<2048x1xf32>
    %logistic3A_65 = arith.constant 1.000000e+00 : f32
    %logistic3A_66 = vector.broadcast %logistic3A_65 : f32 to vector<2048x1xf32>
    %logistic3A_67 = arith.addf %logistic3A_66, %logistic3A_64 : vector<2048x1xf32>
    %logistic3A_68 = arith.divf %logistic3A_66, %logistic3A_67 : vector<2048x1xf32>
    %mul3A_69 = vector.broadcast %logistic3A_68 : vector<2048x1xf32> to vector<2048x64xf32>
    %mul3A_70 = arith.mulf %transpose3A, %mul3A_69 : vector<2048x64xf32>
    %get3A_71 = arith.constant 0 : index
    %get3A_72 = arith.constant 0 : index
    %get3A_73 = vector.load %arg13[%get3A_71, %get3A_72] : memref<64x32xf32, #tpu.memory_space<vmem>>, vector<64x32xf32>
    %dot_general3A_74 = arith.constant dense<0.000000e+00> : vector<2048x32xf32>
    %dot_general3A_75 = tpu.matmul %mul3A_70, %get3A_73, %dot_general3A_74 {dimension_numbers = #tpu.dot_dimension_numbers<[1], [0], [0], [1], [0, 0, 1, 1], [], []>, transpose_lhs_hint = false} : vector<2048x64xf32>, vector<64x32xf32>, vector<2048x32xf32> -> vector<2048x32xf32>
    %get3A_76 = arith.constant 0 : index
    %get3A_77 = arith.constant 0 : index
    %get3A_78 = vector.load %arg14[%get3A_76, %get3A_77] : memref<1x32xf32, #tpu.memory_space<vmem>>, vector<1x32xf32>
    %add3A_79 = vector.broadcast %get3A_78 : vector<1x32xf32> to vector<2048x32xf32>
    %add3A_80 = arith.addf %dot_general3A_75, %add3A_79 : vector<2048x32xf32>
    %max3A_81 = arith.constant 0.000000e+00 : f32
    %max3A_82 = vector.broadcast %max3A_81 : f32 to vector<2048x32xf32>
    %max3A_83 = arith.maximumf %add3A_80, %max3A_82 : vector<2048x32xf32>
    %get3A_84 = arith.constant 0 : index
    %get3A_85 = arith.constant 0 : index
    %get3A_86 = vector.load %arg15[%get3A_84, %get3A_85] : memref<32x16xf32, #tpu.memory_space<vmem>>, vector<32x16xf32>
    %dot_general3A_87 = arith.constant dense<0.000000e+00> : vector<2048x16xf32>
    %dot_general3A_88 = tpu.matmul %max3A_83, %get3A_86, %dot_general3A_87 {dimension_numbers = #tpu.dot_dimension_numbers<[1], [0], [0], [1], [0, 0, 1, 1], [], []>, transpose_lhs_hint = false} : vector<2048x32xf32>, vector<32x16xf32>, vector<2048x16xf32> -> vector<2048x16xf32>
    %get3A_89 = arith.constant 0 : index
    %get3A_90 = arith.constant 0 : index
    %get3A_91 = vector.load %arg16[%get3A_89, %get3A_90] : memref<1x16xf32, #tpu.memory_space<vmem>>, vector<1x16xf32>
    %add3A_92 = vector.broadcast %get3A_91 : vector<1x16xf32> to vector<2048x16xf32>
    %add3A_93 = arith.addf %dot_general3A_88, %add3A_92 : vector<2048x16xf32>
    %max3A_94 = arith.constant 0.000000e+00 : f32
    %max3A_95 = vector.broadcast %max3A_94 : f32 to vector<2048x16xf32>
    %max3A_96 = arith.maximumf %add3A_93, %max3A_95 : vector<2048x16xf32>
    %get3A_97 = arith.constant 0 : index
    %get3A_98 = arith.constant 0 : index
    %get3A_99 = vector.load %arg17[%get3A_97, %get3A_98] : memref<16x128xf32, #tpu.memory_space<vmem>>, vector<16x128xf32>
    %dot_general3A_100 = arith.constant dense<0.000000e+00> : vector<2048x128xf32>
    %dot_general3A_101 = tpu.matmul %max3A_96, %get3A_99, %dot_general3A_100 {dimension_numbers = #tpu.dot_dimension_numbers<[1], [0], [0], [1], [0, 0, 1, 1], [], []>, transpose_lhs_hint = false} : vector<2048x16xf32>, vector<16x128xf32>, vector<2048x128xf32> -> vector<2048x128xf32>
    %get3A_102 = arith.constant 0 : index
    %get3A_103 = arith.constant 0 : index
    %get3A_104 = vector.load %arg18[%get3A_102, %get3A_103] : memref<1x128xf32, #tpu.memory_space<vmem>>, vector<1x128xf32>
    %add3A_105 = vector.broadcast %get3A_104 : vector<1x128xf32> to vector<2048x128xf32>
    %add3A_106 = arith.addf %dot_general3A_101, %add3A_105 : vector<2048x128xf32>
    %broadcast_in_dim3A = arith.constant 0.000000e+00 : f32
    %broadcast_in_dim3A_107 = vector.broadcast %broadcast_in_dim3A : f32 to vector<2048x124xf32>
    %concatenate3A_108 = tpu.concatenate %transpose3A_7, %div3A_63, %broadcast_in_dim3A_107 in 1 : vector<2048x3xf32>, vector<2048x1xf32>, vector<2048x124xf32> -> vector<2048x128xf32>
    %add3A_109 = arith.addf %add3A_106, %concatenate3A_108 : vector<2048x128xf32>
    %swap3A = arith.constant 0 : index
    %swap3A_110 = arith.constant 0 : index
    %swap3A_111 = vector.load %arg19[%swap3A, %swap3A_110] : memref<2048x128xf32, #tpu.memory_space<vmem>>, vector<2048x128xf32>
    tpu.vector_store %arg19[%swap3A, %swap3A_110], %add3A_109 {strides = array<i32>} : memref<2048x128xf32, #tpu.memory_space<vmem>>, vector<2048x128xf32>,
    return
  }
  func.func @transform_0(%arg0: i32, %arg1: i32) -> (i32, i32, i32) {
    %c0_i32 = arith.constant 0 : i32
    %c0_i32_0 = arith.constant 0 : i32
    return %arg0, %c0_i32, %arg1 : i32, i32, i32
  }
  func.func @transform_1(%arg0: i32, %arg1: i32) -> (i32, i32) {
    %mul3A = arith.constant 32 : i32
    %mul3A_0 = arith.muli %arg0, %mul3A : i32
    %add3A = arith.addi %mul3A_0, %arg1 : i32
    %c0_i32 = arith.constant 0 : i32
    %c0_i32_1 = arith.constant 0 : i32
    return %c0_i32, %add3A : i32, i32
  }
  func.func @transform_2(%arg0: i32, %arg1: i32) -> (i32, i32) {
    %c0_i32 = arith.constant 0 : i32
    %c0_i32_0 = arith.constant 0 : i32
    %c0_i32_1 = arith.constant 0 : i32
    return %c0_i32, %c0_i32_0 : i32, i32
  }
  func.func @transform_3(%arg0: i32, %arg1: i32) -> (i32, i32) {
    %c0_i32 = arith.constant 0 : i32
    %c0_i32_0 = arith.constant 0 : i32
    %c0_i32_1 = arith.constant 0 : i32
    return %c0_i32, %c0_i32_0 : i32, i32
  }
  func.func @transform_4(%arg0: i32, %arg1: i32) -> (i32, i32) {
    %c0_i32 = arith.constant 0 : i32
    %c0_i32_0 = arith.constant 0 : i32
    %c0_i32_1 = arith.constant 0 : i32
    return %c0_i32, %c0_i32_0 : i32, i32
  }
  func.func @transform_5(%arg0: i32, %arg1: i32) -> (i32, i32) {
    %c0_i32 = arith.constant 0 : i32
    %c0_i32_0 = arith.constant 0 : i32
    %c0_i32_1 = arith.constant 0 : i32
    return %c0_i32, %c0_i32_0 : i32, i32
  }
  func.func @transform_6(%arg0: i32, %arg1: i32) -> (i32, i32) {
    %c0_i32 = arith.constant 0 : i32
    %c0_i32_0 = arith.constant 0 : i32
    %c0_i32_1 = arith.constant 0 : i32
    return %c0_i32, %c0_i32_0 : i32, i32
  }
  func.func @transform_7(%arg0: i32, %arg1: i32) -> (i32, i32) {
    %c0_i32 = arith.constant 0 : i32
    %c0_i32_0 = arith.constant 0 : i32
    %c0_i32_1 = arith.constant 0 : i32
    return %c0_i32, %c0_i32_0 : i32, i32
  }
  func.func @transform_8(%arg0: i32, %arg1: i32) -> (i32, i32) {
    %c0_i32 = arith.constant 0 : i32
    %c0_i32_0 = arith.constant 0 : i32
    %c0_i32_1 = arith.constant 0 : i32
    return %c0_i32, %c0_i32_0 : i32, i32
  }
  func.func @transform_9(%arg0: i32, %arg1: i32) -> (i32, i32) {
    %c0_i32 = arith.constant 0 : i32
    %c0_i32_0 = arith.constant 0 : i32
    %c0_i32_1 = arith.constant 0 : i32
    return %c0_i32, %c0_i32_0 : i32, i32
  }
  func.func @transform_10(%arg0: i32, %arg1: i32) -> (i32, i32) {
    %c0_i32 = arith.constant 0 : i32
    %c0_i32_0 = arith.constant 0 : i32
    %c0_i32_1 = arith.constant 0 : i32
    return %c0_i32, %c0_i32_0 : i32, i32
  }
  func.func @transform_11(%arg0: i32, %arg1: i32) -> (i32, i32) {
    %c0_i32 = arith.constant 0 : i32
    %c0_i32_0 = arith.constant 0 : i32
    %c0_i32_1 = arith.constant 0 : i32
    return %c0_i32, %c0_i32_0 : i32, i32
  }
  func.func @transform_12(%arg0: i32, %arg1: i32) -> (i32, i32) {
    %c0_i32 = arith.constant 0 : i32
    %c0_i32_0 = arith.constant 0 : i32
    %c0_i32_1 = arith.constant 0 : i32
    return %c0_i32, %c0_i32_0 : i32, i32
  }
  func.func @transform_13(%arg0: i32, %arg1: i32) -> (i32, i32) {
    %c0_i32 = arith.constant 0 : i32
    %c0_i32_0 = arith.constant 0 : i32
    %c0_i32_1 = arith.constant 0 : i32
    return %c0_i32, %c0_i32_0 : i32, i32
  }
  func.func @transform_14(%arg0: i32, %arg1: i32) -> (i32, i32) {
    %c0_i32 = arith.constant 0 : i32
    %c0_i32_0 = arith.constant 0 : i32
    %c0_i32_1 = arith.constant 0 : i32
    return %c0_i32, %c0_i32_0 : i32, i32
  }
  func.func @transform_15(%arg0: i32, %arg1: i32) -> (i32, i32) {
    %c0_i32 = arith.constant 0 : i32
    %c0_i32_0 = arith.constant 0 : i32
    %c0_i32_1 = arith.constant 0 : i32
    return %c0_i32, %c0_i32_0 : i32, i32
  }
  func.func @transform_16(%arg0: i32, %arg1: i32) -> (i32, i32) {
    %c0_i32 = arith.constant 0 : i32
    %c0_i32_0 = arith.constant 0 : i32
    %c0_i32_1 = arith.constant 0 : i32
    return %c0_i32, %c0_i32_0 : i32, i32
  }
  func.func @transform_17(%arg0: i32, %arg1: i32) -> (i32, i32) {
    %mul3A = arith.constant 32 : i32
    %mul3A_0 = arith.muli %arg0, %mul3A : i32
    %add3A = arith.addi %mul3A_0, %arg1 : i32
    %c0_i32 = arith.constant 0 : i32
    %c0_i32_1 = arith.constant 0 : i32
    return %add3A, %c0_i32 : i32, i32
  }
}

</mosaic_0001>

<sc_bundles>
// kernel: kernel.4.cloned.1.call-start
scs
__scs_entry_jumppad:
0x0: {  	(pc) =	sbr.rel $0x88, $3  }
0x1: {  	(tag) =	ssettag $0x0;
	lr =	simm.s32 $0x1  }
0x2: {  	[smem:$0x3F91] =	sst lr;
	_ =	strace $0xD0000000  }
0x3: {  	_ = 	snop  }
0x4: {  	_ = 	snop  }
0x5: {  	_ = 	snop  }
0x6: {  	_ = 	snop  }
0x7: {  	_ = 	snop  }
__scs_overlays_trampoline_lowered:
0x8: {  	[smem:$0x3FA0] =	sst s0  }
0x9: {  	[smem:$0x3FA1] =	sst s1  }
0xa: {  	[smem:$0x3FA2] =	sst s2  }
0xb: {  	[smem:$0x3FA3] =	sst s3  }
0xc: {  	[smem:$0x3FA4] =	sst s4  }
0xd: {  	[smem:$0x3FA5] =	sst s5  }
0xe: {  	[smem:$0x3FA6] =	sst s6  }
0xf: {  	[smem:$0x3FA7] =	sst s7  }
0x10: {  	[smem:$0x3FA8] =	sst s8  }
0x11: {  	[smem:$0x3FA9] =	sst s9;
	s0 =	simm.s32 @!p0 $0x0  }
0x12: {  	s1 =	sld [smem:$0x3F8F];
	s0 =	simm.s32 @p0 $0x1  }
0x13: {  	[smem:$0x3FAA] =	sst s0;
	s0 =	simm.s32 @!p1 $0x0  }
0x14: {  	s2 =	sld [smem:$0x3F8E];
	s0 =	simm.s32 @p1 $0x1  }
0x15: {  	[smem:$0x3FAB] =	sst s0;
	s0 =	simm.s32 @!p2 $0x0  }
0x16: {  	s3 =	sld [smem:$0x3FDB];
	s0 =	simm.s32 @p2 $0x1  }
0x17: {  	s4 =	simm.s32 $0x1BF5;
	[smem:$0x3FAD] =	sst s0  }
0x18: {  	s0 =	sld [smem:$0x3F90];
	_ =	swait.ge [sflag:s4], $0x0  }
0x19: {  	s7 =	sld [smem:$0x3F91]  }
0x1a: {  	s8 =	sadd.s32 $0xFFFFE003, lr  }
0x1b: {  	s9 =	sadd.s32 $0xFFFFFEF7, lr;
	s5 =	simm.s32 $0xFFFFFFFF;
	p2 =	slt.u32 s8, $0xFFFFF086  }
0x1c: {  	p1 =	slt.u32 s9, $0xF7A;
	s5 =	simm.s32 @!p2 $0x0  }
0x1d: {  	s5 =	simm.s32 @p1 $0x1;
	p0 =	seq.s32 s7, s2  }
0x1e: {  	s7 =	smul.u32 @!p0 $0xF7A, s2;
	p2 =	seq.s32 @!p0 s5, $0x0  }
0x1f: {  	s9 =	smul.u32 $0xF7A, s1;
	s8 =	simm.s32 @!p0 $0x1BF5;
	p2 =	por !p2, p0  }
0x20: {  	[sflag:s8] =	ssyncset.s32 @!p0 $0xFFFFF086;
	s6 =	sadd.s32 @!p0 s3, s7;
	s7 =	simm.s32 @!p0 $0x108  }
0x21: {  	s3 =	sadd.s32 s3, s9;
	s6 =	sadd.s32 @!p0 $0x88, s6;
	s7 =	simm.s32 @p2 $0x1082  }
0x22: {  	[simem:s7], [sflag:s8] =	dma.local @!p0 [hbm:s6], $0xF7A  }
0x23: {  	s9 =	sor.u32 $0xD0000000, s2;
	s6 =	simm.s32 $0x108;
	_ =	swait.ge @!p0 [sflag:s8], $0x0  }
0x24: {  	s3 =	sadd.s32 $0x88, s3;
	s6 =	simm.s32 @!p1 $0x1082;
	[sflag:s4] =	ssyncset.s32 $0xFFFFF086  }
0x25: {  	[simem:s6], [sflag:s4] =	dma.local [hbm:s3], $0xF7A  }
0x26: {  	[smem:$0x3F91] =	sst s1;
	(tag) =	ssettag s2;
	_ =	strace s9  }
0x27: {  	s1 =	sld [smem:$0x3FA1]  }
0x28: {  	s2 =	sld [smem:$0x3FA2]  }
0x29: {  	s4 =	sld [smem:$0x3FA4]  }
0x2a: {  	p0 =	seq.s32 s5, $0x0;
	s5 =	sld [smem:$0x3FA5]  }
0x2b: {  	s6 =	sld [smem:$0x3FA6]  }
0x2c: {  	s7 =	sld [smem:$0x3FA7]  }
0x2d: {  	s3 =	simm.s32 $0x108;
	s8 =	sld [smem:$0x3FA8]  }
0x2e: {  	s3 =	simm.s32 @!p0 $0x1082;
	s9 =	sld [smem:$0x3FA9]  }
0x2f: {  	lr =	sadd.s32 s0, s3;
	s0 =	sld [smem:$0x3FA0]  }
0x30: {  	s3 =	sld [smem:$0x3FA3]  }
0x31: {  	[smem:$0x3FAC] =	sst s10  }
0x32: {  	s10 =	sld [smem:$0x3FAA];
	_ =	sdelay $0x3  }
0x33: {  	p0 =	seq.s32 s10, $0x1;
	s10 =	sld [smem:$0x3FAC];
	_ =	sdelay $0x3  }
0x34: {  	[smem:$0x3FAC] =	sst s10  }
0x35: {  	s10 =	sld [smem:$0x3FAB];
	_ =	sdelay $0x3  }
0x36: {  	p1 =	seq.s32 s10, $0x1;
	s10 =	sld [smem:$0x3FAC];
	_ =	sdelay $0x3  }
0x37: {  	[smem:$0x3FAC] =	sst s10  }
0x38: {  	s10 =	sld [smem:$0x3FAD]  }
0x39: {  	_ = 	snop;
	(pc) =	sbr.ind lr, $3  }
0x3a: {  	_ = 	snop  }
0x3b: {  	_ = 	snop  }
0x3c: {  	p2 =	seq.s32 s10, $0x1;
	s10 =	sld [smem:$0x3FAC]  }
0x3d: {  	_ =	shalt  }
0x3e: {  	_ =	shalt  }
0x3f: {  	_ =	shalt  }
0x40: {  	_ =	shalt  }
0x41: {  	_ =	shalt  }
0x42: {  	_ =	shalt  }
0x43: {  	_ =	shalt  }
0x44: {  	_ =	shalt  }
0x45: {  	_ =	shalt  }
0x46: {  	_ =	shalt  }
0x47: {  	_ =	shalt  }
0x48: {  	_ =	shalt  }
0x49: {  	_ =	shalt  }
0x4a: {  	_ =	shalt  }
0x4b: {  	_ =	shalt  }
0x4c: {  	_ =	shalt  }
0x4d: {  	_ =	shalt  }
0x4e: {  	_ =	shalt  }
0x4f: {  	_ =	shalt  }
0x50: {  	_ =	shalt  }
0x51: {  	_ =	shalt  }
0x52: {  	_ =	shalt  }
0x53: {  	_ =	shalt  }
0x54: {  	_ =	shalt  }
0x55: {  	_ =	shalt  }
0x56: {  	_ =	shalt  }
0x57: {  	_ =	shalt  }
0x58: {  	_ =	shalt  }
0x59: {  	_ =	shalt  }
0x5a: {  	_ =	shalt  }
0x5b: {  	_ =	shalt  }
0x5c: {  	_ =	shalt  }
0x5d: {  	_ =	shalt  }
0x5e: {  	_ =	shalt  }
0x5f: {  	_ =	shalt  }
0x60: {  	_ =	shalt  }
0x61: {  	_ =	shalt  }
0x62: {  	_ =	shalt  }
0x63: {  	_ =	shalt  }
0x64: {  	_ =	shalt  }
0x65: {  	_ =	shalt  }
0x66: {  	_ =	shalt  }
0x67: {  	_ =	shalt  }
0x68: {  	_ =	shalt  }
0x69: {  	_ =	shalt  }
0x6a: {  	_ =	shalt  }
0x6b: {  	_ =	shalt  }
0x6c: {  	_ =	shalt  }
0x6d: {  	_ =	shalt  }
0x6e: {  	_ =	shalt  }
0x6f: {  	_ =	shalt  }
0x70: {  	_ =	shalt  }
0x71: {  	_ =	shalt  }
0x72: {  	_ =	shalt  }
0x73: {  	_ =	shalt  }
0x74: {  	_ =	shalt  }
0x75: {  	_ =	shalt  }
0x76: {  	_ =	shalt  }
0x77: {  	_ =	shalt  }
0x78: {  	_ =	shalt  }
0x79: {  	_ =	shalt  }
0x7a: {  	_ =	shalt  }
0x7b: {  	_ =	shalt  }
0x7c: {  	_ =	shalt  }
0x7d: {  	_ =	shalt  }
0x7e: {  	_ =	shalt  }
0x7f: {  	_ =	shalt  }
0x80: {  	_ =	shalt  }
0x81: {  	_ =	shalt  }
0x82: {  	_ =	shalt  }
0x83: {  	_ =	shalt  }
0x84: {  	_ =	shalt  }
0x85: {  	_ =	shalt  }
0x86: {  	_ =	shalt  }
0x87: {  	_ =	shalt  }
.Lfunc_end0:
.L_simem_size_0:
called_computation_lowered:
.L_overlay_start_0:
0x88: {  	s2 =	sld [smem:$0x3FD9]  }
0x89: {  	s3 =	sld [smem:$0x3FFE];
	_ =	sdelay $0x1  }
0x8a: {  	s1 =	srdreg.scid  }
0x8b: {  	s0 =	sand.u32 $0x1, s1  }
0x8c: {  	s14 =	sshll.u32 s0, $0xA;
	s2 =	sadd.s32 s3, s2  }
0x8d: {  	s2 =	sadd.s32 s2, s14  }
0x8e: {  	[smem:$0x3FB8] =	sst s2  }
0x8f: {  	_ = 	snop  }
0x90: {  	s2 =	sld [smem:$0x3FD0];
	_ =	sdelay $0x2  }
0x91: {  	s15 =	simm.s32 $0xA;
	s4 =	simm.s32 $0x10  }
0x92: {  	[smem:s4], [sflag:s15] =	dma.local [hbm:s2], $0x1  }
0x93: {  	_ =	swait.eq [sflag:s15], $0x1  }
0x94: {  	[sflag:s15] =	ssyncset.done $0x0  }
0x95: {  	[sflag:s15] =	ssyncadd.s32 $0xFFFFFFFF  }
0x96: {  	s16 =	sld [smem:$0x11];
	(tm) =	ssettm $0x1  }
0x97: {  	s17 =	sld [smem:$0x3FFB];
	_ =	sdelay $0x3  }
0x98: {  	_ =	strace s17  }
0x99: {  	s3 =	sld [smem:$0x3FFC];
	_ =	sdelay $0x3  }
0x9a: {  	_ =	strace s3  }
0x9b: {  	s3 =	sld [smem:$0x3FFD];
	_ =	sdelay $0x3  }
0x9c: {  	_ =	strace s3  }
0x9d: {  	_ =	strace $0x8FFFFFFF  }
0x9e: {  	s18 =	sld [smem:$0x3FDB];
	_ =	sdelay $0x1  }
0x9f: {  	s19 =	simm.s32 $_scs_section_size  }
0xa0: {  	s5 =	simm.s32 $_size__tile_overlayer_lowered;
	s6 =	simm.s32 $_tile_overlayer_lowered  }
0xa1: {  	s22 =	simm.s32 $0x1BFF;
	s21 =	sshll.u32 s6, $0x1;
	s3 =	sadd.s32 s19, s18  }
0xa2: {  	s7 =	simm.s32 $0x0;
	s20 =	sshll.u32 s5, $0x1;
	s5 =	sadd.s32 s21, s3  }
0xa3: {  	[timem:s7], [sflag:s22] =	dma.local [hbm:s5], s20  }
0xa4: {  	_ =	swait.ge [sflag:s22], s20  }
0xa5: {  	s4 =	ssub.s32 $0x0, s20;
	[sflag:s22] =	ssyncset.done $0x0  }
0xa6: {  	[sflag:s22] =	ssyncadd.s32 s4;
	_ =	sdelay $0x1  }
0xa7: {  	s23 =	simm.s32 $0x1B8B  }
0xa8: {  	_ =	swait.ge [sflag:s23], $0x1  }
0xa9: {  	[sflag:s23] =	ssyncset.done $0x0  }
0xaa: {  	s25 =	simm.s32 $0x1B8E;
	s24 =	sld [smem:$0x3FFE];
	[sflag:s23] =	ssyncadd.s32 $0xFFFFFFFF  }
0xab: {  	s26 =	simm.s32 $execute0_lowered;
	[smem:$0x3FD2] =	sst s25  }
0xac: {  	s5 =	sshll.u32 s26, $0x1;
	_ =	strace $0x80000046;
	[dreg:$0x1] =	wrdreg $0xFFFFFFFF  }
0xad: {  	s28 =	simm.s32 $_size_execute0_lowered;
	s3 =	sadd.s32 s3, s5;
	[dreg:$0x0] =	wrdreg $0x0  }
0xae: {  	s5 =	sshll.u32 s28, $0x1;
	[dreg:$0x2] =	wrdreg s3  }
0xaf: {  	[dreg:$0x3] =	wrdreg s5  }
0xb0: {  	[dreg:$0x4] =	wrdreg $0xC0  }
0xb1: {  	_ =	task [dreg:s7], $0x5FFFF  }
0xb2: {  	[dreg:$0x1] =	wrdreg $0xFFFFFFFF  }
0xb3: {  	[dreg:$0x0] =	wrdreg $0x60  }
0xb4: {  	[dreg:$0x2] =	wrdreg s24  }
0xb5: {  	[dreg:$0x3] =	wrdreg s16  }
0xb6: {  	[dreg:$0x4] =	wrdreg $0x9  }
0xb7: {  	_ =	task.clear_ibuf [dreg:s7], $0x5FFFF;
	_ =	strace $0x90000046  }
0xb8: {  	s29 =	simm.s32 $0x9;
	_ =	strace $0x80000048  }
0xb9: {  	_ =	swait.ge [sflag:s29], $0x1  }
0xba: {  	[sflag:s29] =	ssyncadd.s32 $0xFFFFFFFF  }
0xbb: {  	_ =	strace $0x90000048  }
0xbc: {  	_ =	sfence  }
0xbd: {  	s30 =	sld [smem:$0x0];
	_ =	sdelay $0x2  }
0xbe: {  	s31 =	sshll.u32 s1, $0xD;
	s1 =	sshrl.u32 s1, $0x2  }
0xbf: {  	s3 =	sand.u32 $0x4000, s31;
	s1 =	sadd.s32 s1, s30  }
0xc0: {  	s0 =	sor.u32 s3, s0;
	s1 =	sshll.u32 s1, $0x11  }
0xc1: {  	s0 =	sor.u32 s1, s0  }
0xc2: {  	s0 =	sadd.s32 $0x8F2B, s0  }
0xc3: {  	[sflag:s0] =	ssyncadd.remote.s32 $0x1  }
0xc4: {  	_ =	sfence.sel $0xFFFF  }
0xc5: {  	[dreg:$0x0] =	wrdreg $0xFFFFFFFF;
	(pc) =	sbr.abs _section_cstart, $3  }
0xc6: {  	[dreg:$0x1] =	wrdreg $0xFFFFFFFF  }
0xc7: {  	_ =	task.clear_ibuf [dreg:s7], $0x2FFFF;
	_ =	strace $0x9FFFFFFF  }
0xc8: {  	(tm) =	ssettm $0x7FFFFFFF  }
0xc9: {  	_ =	shalt  }
tec
execute0_lowered:
.L_overlay_start_1:
0x0: {  	(tag) =	ssettag $0x1  }
0x1: {  	s0 =	srdreg.scid;
	s1 =	stileid.u32  }
0x2: {  	s31 =	sand.u32 $0x1, s0;
	s25 =	sshll.u32 s1, $0x1  }
0x3: {  	s4 =	rddreg [dreg:$0x0];
	s3 =	sor.u32 s31, s25  }
0x4: {  	s30 =	rddreg [dreg:$0x1];
	s2 =	simm.s32 $0x0;
	s0 =	smul.u32 $0x3A00, s3  }
0x5: {  	[smem:$0x7FF] =	sst s2;
	s1 =	sadd.s32 $0x800400, s4;
	s3 =	smul.u32 $0x3A000, s3  }
0x6: {  	_ =	strace $0x80000047;
	s5 =	sshrl.u32 s0, $0x3;
	s6 =	sadd.s32 $0x3A0, s0  }
0x7: {  	s3 =	sadd.s32 s1, s3;
	s9 =	sadd.s32 $0x740, s0;
	s11 =	sadd.s32 $0xAE0, s0  }
0x8: {  	s5 =	sadd.s32 s30, s5;
	s26 =	sshrl.u32 s6, $0x3;
	[dreg:$0x4] =	wrdreg s3  }
0x9: {  	s7 =	sshll.u32 s6, $0x4;
	[dreg:$0x3] =	wrdreg s5;
	s5 =	sadd.s32 s30, s26  }
0xa: {  	s10 =	sshrl.u32 s9, $0x3;
	s8 =	sadd.s32 s1, s7;
	[dreg:$0x5] =	wrdreg s5  }
0xb: {  	s13 =	sshrl.u32 s11, $0x3;
	s3 =	sadd.s32 s30, s10;
	[dreg:$0x6] =	wrdreg s8  }
0xc: {  	s14 =	sadd.s32 s30, s13;
	[dreg:$0x7] =	wrdreg s3  }
0xd: {  	s15 =	sshll.u32 s11, $0x4;
	s5 =	sshll.u32 s9, $0x4;
	[dreg:$0x9] =	wrdreg s14  }
0xe: {  	s8 =	sadd.s32 $0xE80, s0;
	s3 =	sadd.s32 s1, s15;
	s17 =	rddreg [dreg:$0x3]  }
0xf: {  	s12 =	sadd.s32 s1, s5;
	s16 =	sshrl.u32 s8, $0x3;
	[dreg:$0xa] =	wrdreg s3  }
0x10: {  	[tilespmem:s2], [sflag:$0x2] =	stream.linear.gather [hbm4b:s17+s2], $0x3A0, $0x38;
	[tilespmem:$0x1D400] =	vst v63  }
0x11: {  	[dreg:$0x8] =	wrdreg s12;
	s18 =	sadd.s32 s30, s16  }
0x12: {  	s3 =	simm.s32 $0x2;
	[dreg:$0xb] =	wrdreg s18  }
0x13: {  	_ =	swait.ge [sflag:s3], $0x3A0  }
0x14: {  	s4 =	sadd.s32 $0x400, s4;
	s6 =	simm.s32 $0x400;
	[sflag:s3] =	ssyncset.done $0x0  }
0x15: {  	s7 =	simm.s32 $0x1;
	s5 =	simm.s32 $0x3A0;
	[sflag:s3] =	ssyncadd.s32 $0xFFFFFC60  }
0x16: {  	[tilespmem:s6], [sflag:$0x1] =	stream.indirect.gather [hbm4b:s4+s5], $0x80, s2, s5, $0xb8;
	[tilespmem:$0x1D400] =	vst v63  }
0x17: {  	_ =	swait.ge [sflag:s7], $0x1D000  }
0x18: {  	[sflag:s7] =	ssyncset.done $0x0  }
0x19: {  	s9 =	rddreg [dreg:$0x4];
	[sflag:s7] =	ssyncadd.s32 $0xFFFE3000  }
0x1a: {  	[hbm4b:s9+s2] =	stream.linear.scatter [tilespmem:s6], [sflag:$0x2], $0x1D000, $0x38;
	[tilespmem:$0x1D400] =	vst v63  }
0x1b: {  	_ =	swait.ge [sflag:s3], $0x1D000  }
0x1c: {  	[sflag:s3] =	ssyncset.done $0x0  }
0x1d: {  	s19 =	rddreg [dreg:$0x5];
	[sflag:s3] =	ssyncadd.s32 $0xFFFE3000  }
0x1e: {  	[tilespmem:s2], [sflag:$0x2] =	stream.linear.gather [hbm4b:s19+s2], $0x3A0, $0x38;
	[tilespmem:$0x1D400] =	vst v63  }
0x1f: {  	_ =	swait.ge [sflag:s3], $0x3A0  }
0x20: {  	[sflag:s3] =	ssyncset.done $0x0  }
0x21: {  	[sflag:s3] =	ssyncadd.s32 $0xFFFFFC60  }
0x22: {  	[tilespmem:s6], [sflag:$0x1] =	stream.indirect.gather [hbm4b:s4+s5], $0x80, s2, s5, $0xb8;
	[tilespmem:$0x1D400] =	vst v63  }
0x23: {  	_ =	swait.ge [sflag:s7], $0x1D000  }
0x24: {  	[sflag:s7] =	ssyncset.done $0x0  }
0x25: {  	s20 =	rddreg [dreg:$0x6];
	[sflag:s7] =	ssyncadd.s32 $0xFFFE3000  }
0x26: {  	[hbm4b:s20+s2] =	stream.linear.scatter [tilespmem:s6], [sflag:$0x2], $0x1D000, $0x38;
	[tilespmem:$0x1D400] =	vst v63  }
0x27: {  	_ =	swait.ge [sflag:s3], $0x1D000  }
0x28: {  	[sflag:s3] =	ssyncset.done $0x0  }
0x29: {  	s21 =	rddreg [dreg:$0x7];
	[sflag:s3] =	ssyncadd.s32 $0xFFFE3000  }
0x2a: {  	[tilespmem:s2], [sflag:$0x2] =	stream.linear.gather [hbm4b:s21+s2], $0x3A0, $0x38;
	[tilespmem:$0x1D400] =	vst v63  }
0x2b: {  	_ =	swait.ge [sflag:s3], $0x3A0  }
0x2c: {  	[sflag:s3] =	ssyncset.done $0x0  }
0x2d: {  	[sflag:s3] =	ssyncadd.s32 $0xFFFFFC60  }
0x2e: {  	[tilespmem:s6], [sflag:$0x1] =	stream.indirect.gather [hbm4b:s4+s5], $0x80, s2, s5, $0xb8;
	[tilespmem:$0x1D400] =	vst v63  }
0x2f: {  	_ =	swait.ge [sflag:s7], $0x1D000  }
0x30: {  	[sflag:s7] =	ssyncset.done $0x0  }
0x31: {  	s22 =	rddreg [dreg:$0x8];
	[sflag:s7] =	ssyncadd.s32 $0xFFFE3000  }
0x32: {  	[hbm4b:s22+s2] =	stream.linear.scatter [tilespmem:s6], [sflag:$0x2], $0x1D000, $0x38;
	[tilespmem:$0x1D400] =	vst v63  }
0x33: {  	_ =	swait.ge [sflag:s3], $0x1D000  }
0x34: {  	[sflag:s3] =	ssyncset.done $0x0  }
0x35: {  	s23 =	rddreg [dreg:$0x9];
	[sflag:s3] =	ssyncadd.s32 $0xFFFE3000  }
0x36: {  	[tilespmem:s2], [sflag:$0x2] =	stream.linear.gather [hbm4b:s23+s2], $0x3A0, $0x38;
	[tilespmem:$0x1D400] =	vst v63  }
0x37: {  	_ =	swait.ge [sflag:s3], $0x3A0  }
0x38: {  	[sflag:s3] =	ssyncset.done $0x0  }
0x39: {  	[sflag:s3] =	ssyncadd.s32 $0xFFFFFC60  }
0x3a: {  	[tilespmem:s6], [sflag:$0x1] =	stream.indirect.gather [hbm4b:s4+s5], $0x80, s2, s5, $0xb8;
	[tilespmem:$0x1D400] =	vst v63  }
0x3b: {  	_ =	swait.ge [sflag:s7], $0x1D000  }
0x3c: {  	[sflag:s7] =	ssyncset.done $0x0  }
0x3d: {  	s24 =	rddreg [dreg:$0xa];
	[sflag:s7] =	ssyncadd.s32 $0xFFFE3000  }
0x3e: {  	[hbm4b:s24+s2] =	stream.linear.scatter [tilespmem:s6], [sflag:$0x2], $0x1D000, $0x38;
	[tilespmem:$0x1D400] =	vst v63  }
0x3f: {  	_ =	swait.ge [sflag:s3], $0x1D000  }
0x40: {  	[sflag:s3] =	ssyncset.done $0x0  }
0x41: {  	s25 =	rddreg [dreg:$0xb];
	[sflag:s3] =	ssyncadd.s32 $0xFFFE3000  }
0x42: {  	[tilespmem:s2], [sflag:$0x2] =	stream.linear.gather [hbm4b:s25+s2], $0x3A0, $0x38;
	[tilespmem:$0x1D400] =	vst v63  }
0x43: {  	_ =	swait.ge [sflag:s3], $0x3A0  }
0x44: {  	[sflag:s3] =	ssyncset.done $0x0  }
0x45: {  	[sflag:s3] =	ssyncadd.s32 $0xFFFFFC60  }
0x46: {  	[tilespmem:s6], [sflag:$0x1] =	stream.indirect.gather [hbm4b:s4+s5], $0x80, s2, s5, $0xb8;
	[tilespmem:$0x1D400] =	vst v63  }
0x47: {  	_ =	swait.ge [sflag:s7], $0x1D000  }
0x48: {  	s8 =	sshll.u32 s8, $0x4;
	[sflag:s7] =	ssyncset.done $0x0  }
0x49: {  	s8 =	sadd.s32 s1, s8;
	[sflag:s7] =	ssyncadd.s32 $0xFFFE3000  }
0x4a: {  	[hbm4b:s8+s2] =	stream.linear.scatter [tilespmem:s6], [sflag:$0x2], $0x1D000, $0x38;
	[tilespmem:$0x1D400] =	vst v63  }
0x4b: {  	s10 =	sadd.s32 $0x1220, s0;
	_ =	swait.ge [sflag:s3], $0x1D000  }
0x4c: {  	s26 =	sshrl.u32 s10, $0x3;
	[sflag:s3] =	ssyncset.done $0x0  }
0x4d: {  	s9 =	sadd.s32 s30, s26;
	[sflag:s3] =	ssyncadd.s32 $0xFFFE3000  }
0x4e: {  	[tilespmem:s2], [sflag:$0x2] =	stream.linear.gather [hbm4b:s9+s2], $0x3A0, $0x38;
	[tilespmem:$0x1D400] =	vst v63  }
0x4f: {  	_ =	swait.ge [sflag:s3], $0x3A0  }
0x50: {  	[sflag:s3] =	ssyncset.done $0x0  }
0x51: {  	[sflag:s3] =	ssyncadd.s32 $0xFFFFFC60  }
0x52: {  	[tilespmem:s6], [sflag:$0x1] =	stream.indirect.gather [hbm4b:s4+s5], $0x80, s2, s5, $0xb8;
	[tilespmem:$0x1D400] =	vst v63  }
0x53: {  	_ =	swait.ge [sflag:s7], $0x1D000  }
0x54: {  	s10 =	sshll.u32 s10, $0x4;
	[sflag:s7] =	ssyncset.done $0x0  }
0x55: {  	s10 =	sadd.s32 s1, s10;
	[sflag:s7] =	ssyncadd.s32 $0xFFFE3000  }
0x56: {  	[hbm4b:s10+s2] =	stream.linear.scatter [tilespmem:s6], [sflag:$0x2], $0x1D000, $0x38;
	[tilespmem:$0x1D400] =	vst v63  }
0x57: {  	s12 =	sadd.s32 $0x15C0, s0;
	_ =	swait.ge [sflag:s3], $0x1D000  }
0x58: {  	s11 =	sshrl.u32 s12, $0x3;
	[sflag:s3] =	ssyncset.done $0x0  }
0x59: {  	s11 =	sadd.s32 s30, s11;
	[sflag:s3] =	ssyncadd.s32 $0xFFFE3000  }
0x5a: {  	[tilespmem:s2], [sflag:$0x2] =	stream.linear.gather [hbm4b:s11+s2], $0x3A0, $0x38;
	[tilespmem:$0x1D400] =	vst v63  }
0x5b: {  	_ =	swait.ge [sflag:s3], $0x3A0  }
0x5c: {  	[sflag:s3] =	ssyncset.done $0x0  }
0x5d: {  	[sflag:s3] =	ssyncadd.s32 $0xFFFFFC60  }
0x5e: {  	[tilespmem:s6], [sflag:$0x1] =	stream.indirect.gather [hbm4b:s4+s5], $0x80, s2, s5, $0xb8;
	[tilespmem:$0x1D400] =	vst v63  }
0x5f: {  	_ =	swait.ge [sflag:s7], $0x1D000  }
0x60: {  	s12 =	sshll.u32 s12, $0x4;
	[sflag:s7] =	ssyncset.done $0x0  }
0x61: {  	s12 =	sadd.s32 s1, s12;
	[sflag:s7] =	ssyncadd.s32 $0xFFFE3000  }
0x62: {  	[hbm4b:s12+s2] =	stream.linear.scatter [tilespmem:s6], [sflag:$0x2], $0x1D000, $0x38;
	[tilespmem:$0x1D400] =	vst v63  }
0x63: {  	s14 =	sadd.s32 $0x1960, s0;
	_ =	swait.ge [sflag:s3], $0x1D000  }
0x64: {  	s13 =	sshrl.u32 s14, $0x3;
	[sflag:s3] =	ssyncset.done $0x0  }
0x65: {  	s13 =	sadd.s32 s30, s13;
	[sflag:s3] =	ssyncadd.s32 $0xFFFE3000  }
0x66: {  	[tilespmem:s2], [sflag:$0x2] =	stream.linear.gather [hbm4b:s13+s2], $0x3A0, $0x38;
	[tilespmem:$0x1D400] =	vst v63  }
0x67: {  	_ =	swait.ge [sflag:s3], $0x3A0  }
0x68: {  	[sflag:s3] =	ssyncset.done $0x0  }
0x69: {  	[sflag:s3] =	ssyncadd.s32 $0xFFFFFC60  }
0x6a: {  	[tilespmem:s6], [sflag:$0x1] =	stream.indirect.gather [hbm4b:s4+s5], $0x80, s2, s5, $0xb8;
	[tilespmem:$0x1D400] =	vst v63  }
0x6b: {  	_ =	swait.ge [sflag:s7], $0x1D000  }
0x6c: {  	s14 =	sshll.u32 s14, $0x4;
	[sflag:s7] =	ssyncset.done $0x0  }
0x6d: {  	s14 =	sadd.s32 s1, s14;
	[sflag:s7] =	ssyncadd.s32 $0xFFFE3000  }
0x6e: {  	[hbm4b:s14+s2] =	stream.linear.scatter [tilespmem:s6], [sflag:$0x2], $0x1D000, $0x38;
	[tilespmem:$0x1D400] =	vst v63  }
0x6f: {  	s16 =	sadd.s32 $0x1D00, s0;
	_ =	swait.ge [sflag:s3], $0x1D000  }
0x70: {  	s15 =	sshrl.u32 s16, $0x3;
	[sflag:s3] =	ssyncset.done $0x0  }
0x71: {  	s15 =	sadd.s32 s30, s15;
	[sflag:s3] =	ssyncadd.s32 $0xFFFE3000  }
0x72: {  	[tilespmem:s2], [sflag:$0x2] =	stream.linear.gather [hbm4b:s15+s2], $0x3A0, $0x38;
	[tilespmem:$0x1D400] =	vst v63  }
0x73: {  	_ =	swait.ge [sflag:s3], $0x3A0  }
0x74: {  	[sflag:s3] =	ssyncset.done $0x0  }
0x75: {  	[sflag:s3] =	ssyncadd.s32 $0xFFFFFC60  }
0x76: {  	[tilespmem:s6], [sflag:$0x1] =	stream.indirect.gather [hbm4b:s4+s5], $0x80, s2, s5, $0xb8;
	[tilespmem:$0x1D400] =	vst v63  }
0x77: {  	_ =	swait.ge [sflag:s7], $0x1D000  }
0x78: {  	s16 =	sshll.u32 s16, $0x4;
	[sflag:s7] =	ssyncset.done $0x0  }
0x79: {  	s16 =	sadd.s32 s1, s16;
	[sflag:s7] =	ssyncadd.s32 $0xFFFE3000  }
0x7a: {  	[hbm4b:s16+s2] =	stream.linear.scatter [tilespmem:s6], [sflag:$0x2], $0x1D000, $0x38;
	[tilespmem:$0x1D400] =	vst v63  }
0x7b: {  	s18 =	sadd.s32 $0x20A0, s0;
	_ =	swait.ge [sflag:s3], $0x1D000  }
0x7c: {  	s17 =	sshrl.u32 s18, $0x3;
	[sflag:s3] =	ssyncset.done $0x0  }
0x7d: {  	s17 =	sadd.s32 s30, s17;
	[sflag:s3] =	ssyncadd.s32 $0xFFFE3000  }
0x7e: {  	[tilespmem:s2], [sflag:$0x2] =	stream.linear.gather [hbm4b:s17+s2], $0x3A0, $0x38;
	[tilespmem:$0x1D400] =	vst v63  }
0x7f: {  	_ =	swait.ge [sflag:s3], $0x3A0  }
0x80: {  	[sflag:s3] =	ssyncset.done $0x0  }
0x81: {  	[sflag:s3] =	ssyncadd.s32 $0xFFFFFC60  }
0x82: {  	[tilespmem:s6], [sflag:$0x1] =	stream.indirect.gather [hbm4b:s4+s5], $0x80, s2, s5, $0xb8;
	[tilespmem:$0x1D400] =	vst v63  }
0x83: {  	_ =	swait.ge [sflag:s7], $0x1D000  }
0x84: {  	s18 =	sshll.u32 s18, $0x4;
	[sflag:s7] =	ssyncset.done $0x0  }
0x85: {  	s18 =	sadd.s32 s1, s18;
	[sflag:s7] =	ssyncadd.s32 $0xFFFE3000  }
0x86: {  	[hbm4b:s18+s2] =	stream.linear.scatter [tilespmem:s6], [sflag:$0x2], $0x1D000, $0x38;
	[tilespmem:$0x1D400] =	vst v63  }
0x87: {  	s20 =	sadd.s32 $0x2440, s0;
	_ =	swait.ge [sflag:s3], $0x1D000  }
0x88: {  	s19 =	sshrl.u32 s20, $0x3;
	[sflag:s3] =	ssyncset.done $0x0  }
0x89: {  	s19 =	sadd.s32 s30, s19;
	[sflag:s3] =	ssyncadd.s32 $0xFFFE3000  }
0x8a: {  	[tilespmem:s2], [sflag:$0x2] =	stream.linear.gather [hbm4b:s19+s2], $0x3A0, $0x38;
	[tilespmem:$0x1D400] =	vst v63  }
0x8b: {  	_ =	swait.ge [sflag:s3], $0x3A0  }
0x8c: {  	[sflag:s3] =	ssyncset.done $0x0  }
0x8d: {  	[sflag:s3] =	ssyncadd.s32 $0xFFFFFC60  }
0x8e: {  	[tilespmem:s6], [sflag:$0x1] =	stream.indirect.gather [hbm4b:s4+s5], $0x80, s2, s5, $0xb8;
	[tilespmem:$0x1D400] =	vst v63  }
0x8f: {  	_ =	swait.ge [sflag:s7], $0x1D000  }
0x90: {  	s20 =	sshll.u32 s20, $0x4;
	[sflag:s7] =	ssyncset.done $0x0  }
0x91: {  	s20 =	sadd.s32 s1, s20;
	[sflag:s7] =	ssyncadd.s32 $0xFFFE3000  }
0x92: {  	[hbm4b:s20+s2] =	stream.linear.scatter [tilespmem:s6], [sflag:$0x2], $0x1D000, $0x38;
	[tilespmem:$0x1D400] =	vst v63  }
0x93: {  	s22 =	sadd.s32 $0x27E0, s0;
	_ =	swait.ge [sflag:s3], $0x1D000  }
0x94: {  	s21 =	sshrl.u32 s22, $0x3;
	[sflag:s3] =	ssyncset.done $0x0  }
0x95: {  	s21 =	sadd.s32 s30, s21;
	[sflag:s3] =	ssyncadd.s32 $0xFFFE3000  }
0x96: {  	[tilespmem:s2], [sflag:$0x2] =	stream.linear.gather [hbm4b:s21+s2], $0x3A0, $0x38;
	[tilespmem:$0x1D400] =	vst v63  }
0x97: {  	_ =	swait.ge [sflag:s3], $0x3A0  }
0x98: {  	[sflag:s3] =	ssyncset.done $0x0  }
0x99: {  	[sflag:s3] =	ssyncadd.s32 $0xFFFFFC60  }
0x9a: {  	[tilespmem:s6], [sflag:$0x1] =	stream.indirect.gather [hbm4b:s4+s5], $0x80, s2, s5, $0xb8;
	[tilespmem:$0x1D400] =	vst v63  }
0x9b: {  	_ =	swait.ge [sflag:s7], $0x1D000  }
0x9c: {  	s22 =	sshll.u32 s22, $0x4;
	[sflag:s7] =	ssyncset.done $0x0  }
0x9d: {  	s22 =	sadd.s32 s1, s22;
	[sflag:s7] =	ssyncadd.s32 $0xFFFE3000  }
0x9e: {  	[hbm4b:s22+s2] =	stream.linear.scatter [tilespmem:s6], [sflag:$0x2], $0x1D000, $0x38;
	[tilespmem:$0x1D400] =	vst v63  }
0x9f: {  	s24 =	sadd.s32 $0x2B80, s0;
	_ =	swait.ge [sflag:s3], $0x1D000  }
0xa0: {  	s23 =	sshrl.u32 s24, $0x3;
	[sflag:s3] =	ssyncset.done $0x0  }
0xa1: {  	s23 =	sadd.s32 s30, s23;
	[sflag:s3] =	ssyncadd.s32 $0xFFFE3000  }
0xa2: {  	[tilespmem:s2], [sflag:$0x2] =	stream.linear.gather [hbm4b:s23+s2], $0x3A0, $0x38;
	[tilespmem:$0x1D400] =	vst v63  }
0xa3: {  	_ =	swait.ge [sflag:s3], $0x3A0  }
0xa4: {  	[sflag:s3] =	ssyncset.done $0x0  }
0xa5: {  	[sflag:s3] =	ssyncadd.s32 $0xFFFFFC60  }
0xa6: {  	[tilespmem:s6], [sflag:$0x1] =	stream.indirect.gather [hbm4b:s4+s5], $0x80, s2, s5, $0xb8;
	[tilespmem:$0x1D400] =	vst v63  }
0xa7: {  	_ =	swait.ge [sflag:s7], $0x1D000  }
0xa8: {  	s24 =	sshll.u32 s24, $0x4;
	[sflag:s7] =	ssyncset.done $0x0  }
0xa9: {  	s24 =	sadd.s32 s1, s24;
	[sflag:s7] =	ssyncadd.s32 $0xFFFE3000  }
0xaa: {  	[hbm4b:s24+s2] =	stream.linear.scatter [tilespmem:s6], [sflag:$0x2], $0x1D000, $0x38;
	[tilespmem:$0x1D400] =	vst v63  }
0xab: {  	s26 =	sadd.s32 $0x2F20, s0;
	_ =	swait.ge [sflag:s3], $0x1D000  }
0xac: {  	s25 =	sshrl.u32 s26, $0x3;
	[sflag:s3] =	ssyncset.done $0x0  }
0xad: {  	s25 =	sadd.s32 s30, s25;
	[sflag:s3] =	ssyncadd.s32 $0xFFFE3000  }
0xae: {  	[tilespmem:s2], [sflag:$0x2] =	stream.linear.gather [hbm4b:s25+s2], $0x3A0, $0x38;
	[tilespmem:$0x1D400] =	vst v63  }
0xaf: {  	_ =	swait.ge [sflag:s3], $0x3A0  }
0xb0: {  	[sflag:s3] =	ssyncset.done $0x0  }
0xb1: {  	[sflag:s3] =	ssyncadd.s32 $0xFFFFFC60  }
0xb2: {  	[tilespmem:s6], [sflag:$0x1] =	stream.indirect.gather [hbm4b:s4+s5], $0x80, s2, s5, $0xb8;
	[tilespmem:$0x1D400] =	vst v63  }
0xb3: {  	_ =	swait.ge [sflag:s7], $0x1D000  }
0xb4: {  	s26 =	sshll.u32 s26, $0x4;
	[sflag:s7] =	ssyncset.done $0x0  }
0xb5: {  	s26 =	sadd.s32 s1, s26;
	[dreg:$0xc] =	wrdreg s1;
	[sflag:s7] =	ssyncadd.s32 $0xFFFE3000  }
0xb6: {  	[hbm4b:s26+s2] =	stream.linear.scatter [tilespmem:s6], [sflag:$0x2], $0x1D000, $0x38;
	[tilespmem:$0x1D400] =	vst v63  }
0xb7: {  	s29 =	sadd.s32 $0x32C0, s0;
	_ =	swait.ge [sflag:s3], $0x1D000  }
0xb8: {  	s28 =	sshrl.u32 s29, $0x3;
	[sflag:s3] =	ssyncset.done $0x0  }
0xb9: {  	s28 =	sadd.s32 s30, s28;
	[sflag:s3] =	ssyncadd.s32 $0xFFFE3000  }
0xba: {  	[tilespmem:s2], [sflag:$0x2] =	stream.linear.gather [hbm4b:s28+s2], $0x3A0, $0x38;
	[tilespmem:$0x1D400] =	vst v63  }
0xbb: {  	_ =	swait.ge [sflag:s3], $0x3A0  }
0xbc: {  	[sflag:s3] =	ssyncset.done $0x0  }
0xbd: {  	[sflag:s3] =	ssyncadd.s32 $0xFFFFFC60  }
0xbe: {  	[tilespmem:s6], [sflag:$0x1] =	stream.indirect.gather [hbm4b:s4+s5], $0x80, s2, s5, $0xb8;
	[tilespmem:$0x1D400] =	vst v63  }
0xbf: {  	_ =	swait.ge [sflag:s7], $0x1D000  }
0xc0: {  	s29 =	sshll.u32 s29, $0x4;
	[sflag:s7] =	ssyncset.done $0x0  }
0xc1: {  	s29 =	sadd.s32 s1, s29;
	s0 =	sadd.s32 $0x3660, s0;
	[sflag:s7] =	ssyncadd.s32 $0xFFFE3000  }
0xc2: {  	[hbm4b:s29+s2] =	stream.linear.scatter [tilespmem:s6], [sflag:$0x2], $0x1D000, $0x38;
	[tilespmem:$0x1D400] =	vst v63  }
0xc3: {  	s1 =	sshrl.u32 s0, $0x3;
	_ =	swait.ge [sflag:s3], $0x1D000  }
0xc4: {  	s30 =	sadd.s32 s30, s1;
	s1 =	ssub.s32 $0x2, s31;
	[sflag:s3] =	ssyncset.done $0x0  }
0xc5: {  	s31 =	sshrl.u32 s1, $0x1;
	[sflag:s3] =	ssyncadd.s32 $0xFFFE3000  }
0xc6: {  	[tilespmem:s2], [sflag:$0x2] =	stream.linear.gather [hbm4b:s30+s2], $0x3A0, $0x38;
	[tilespmem:$0x1D400] =	vst v63  }
0xc7: {  	s1 =	ssub.s32 s1, s31;
	_ =	swait.ge [sflag:s3], $0x3A0  }
0xc8: {  	s1 =	smax.u32 s1, $0x1;
	[sflag:s3] =	ssyncset.done $0x0  }
0xc9: {  	p0 =	sne.s32 s1, $0x1;
	[sflag:s3] =	ssyncadd.s32 $0xFFFFFC60  }
0xca: {  	[tilespmem:s6], [sflag:$0x1] =	stream.indirect.gather [hbm4b:s4+s5], $0x80, s2, s5, $0xb8;
	[tilespmem:$0x1D400] =	vst v63  }
.Ltmp0:
0xcb: {  	_ =	swait.ge [sflag:s7], $0x1D000;
	(pc) =	sbr.rel @!p0 .LBB2_2-.Ltmp0, $4  }
0xcc: {  	s0 =	sshll.u32 s0, $0x4;
	[sflag:s7] =	ssyncset.done $0x0;
	s31 =	rddreg [dreg:$0xc]  }
0xcd: {  	s31 =	sadd.s32 s31, s0;
	[sflag:s7] =	ssyncadd.s32 $0xFFFE3000  }
0xce: {  	[hbm4b:s31+s2] =	stream.linear.scatter [tilespmem:s6], [sflag:$0x2], $0x1D000, $0x38;
	[tilespmem:$0x1D400] =	vst v63  }
0xcf: {  	s1 =	sadd.s32 $0xFFFFFFFF, s1;
	_ =	swait.ge [sflag:s3], $0x1D000  }
.LBB2_1:
0xd0: {  	[sflag:s3] =	ssyncset.done $0x0  }
0xd1: {  	s0 =	rddreg [dreg:$0x3];
	[sflag:s3] =	ssyncadd.s32 $0xFFFE3000  }
0xd2: {  	[tilespmem:s2], [sflag:$0x2] =	stream.linear.gather [hbm4b:s0+s2], $0x3A0, $0x38;
	[tilespmem:$0x1D400] =	vst v63  }
0xd3: {  	_ =	swait.ge [sflag:s3], $0x3A0  }
0xd4: {  	[sflag:s3] =	ssyncset.done $0x0  }
0xd5: {  	[sflag:s3] =	ssyncadd.s32 $0xFFFFFC60  }
0xd6: {  	[tilespmem:s6], [sflag:$0x1] =	stream.indirect.gather [hbm4b:s4+s5], $0x80, s2, s5, $0xb8;
	[tilespmem:$0x1D400] =	vst v63  }
0xd7: {  	_ =	swait.ge [sflag:s7], $0x1D000  }
0xd8: {  	[sflag:s7] =	ssyncset.done $0x0  }
0xd9: {  	s0 =	rddreg [dreg:$0x4];
	[sflag:s7] =	ssyncadd.s32 $0xFFFE3000  }
0xda: {  	[hbm4b:s0+s2] =	stream.linear.scatter [tilespmem:s6], [sflag:$0x2], $0x1D000, $0x38;
	[tilespmem:$0x1D400] =	vst v63  }
0xdb: {  	_ =	swait.ge [sflag:s3], $0x1D000  }
0xdc: {  	[sflag:s3] =	ssyncset.done $0x0  }
0xdd: {  	s0 =	rddreg [dreg:$0x5];
	[sflag:s3] =	ssyncadd.s32 $0xFFFE3000  }
0xde: {  	[tilespmem:s2], [sflag:$0x2] =	stream.linear.gather [hbm4b:s0+s2], $0x3A0, $0x38;
	[tilespmem:$0x1D400] =	vst v63  }
0xdf: {  	_ =	swait.ge [sflag:s3], $0x3A0  }
0xe0: {  	[sflag:s3] =	ssyncset.done $0x0  }
0xe1: {  	[sflag:s3] =	ssyncadd.s32 $0xFFFFFC60  }
0xe2: {  	[tilespmem:s6], [sflag:$0x1] =	stream.indirect.gather [hbm4b:s4+s5], $0x80, s2, s5, $0xb8;
	[tilespmem:$0x1D400] =	vst v63  }
0xe3: {  	_ =	swait.ge [sflag:s7], $0x1D000  }
0xe4: {  	[sflag:s7] =	ssyncset.done $0x0  }
0xe5: {  	s0 =	rddreg [dreg:$0x6];
	[sflag:s7] =	ssyncadd.s32 $0xFFFE3000  }
0xe6: {  	[hbm4b:s0+s2] =	stream.linear.scatter [tilespmem:s6], [sflag:$0x2], $0x1D000, $0x38;
	[tilespmem:$0x1D400] =	vst v63  }
0xe7: {  	_ =	swait.ge [sflag:s3], $0x1D000  }
0xe8: {  	[sflag:s3] =	ssyncset.done $0x0  }
0xe9: {  	s0 =	rddreg [dreg:$0x7];
	[sflag:s3] =	ssyncadd.s32 $0xFFFE3000  }
0xea: {  	[tilespmem:s2], [sflag:$0x2] =	stream.linear.gather [hbm4b:s0+s2], $0x3A0, $0x38;
	[tilespmem:$0x1D400] =	vst v63  }
0xeb: {  	_ =	swait.ge [sflag:s3], $0x3A0  }
0xec: {  	[sflag:s3] =	ssyncset.done $0x0  }
0xed: {  	[sflag:s3] =	ssyncadd.s32 $0xFFFFFC60  }
0xee: {  	[tilespmem:s6], [sflag:$0x1] =	stream.indirect.gather [hbm4b:s4+s5], $0x80, s2, s5, $0xb8;
	[tilespmem:$0x1D400] =	vst v63  }
0xef: {  	_ =	swait.ge [sflag:s7], $0x1D000  }
0xf0: {  	[sflag:s7] =	ssyncset.done $0x0  }
0xf1: {  	s0 =	rddreg [dreg:$0x8];
	[sflag:s7] =	ssyncadd.s32 $0xFFFE3000  }
0xf2: {  	[hbm4b:s0+s2] =	stream.linear.scatter [tilespmem:s6], [sflag:$0x2], $0x1D000, $0x38;
	[tilespmem:$0x1D400] =	vst v63  }
0xf3: {  	_ =	swait.ge [sflag:s3], $0x1D000  }
0xf4: {  	[sflag:s3] =	ssyncset.done $0x0  }
0xf5: {  	s0 =	rddreg [dreg:$0x9];
	[sflag:s3] =	ssyncadd.s32 $0xFFFE3000  }
0xf6: {  	[tilespmem:s2], [sflag:$0x2] =	stream.linear.gather [hbm4b:s0+s2], $0x3A0, $0x38;
	[tilespmem:$0x1D400] =	vst v63  }
0xf7: {  	_ =	swait.ge [sflag:s3], $0x3A0  }
0xf8: {  	[sflag:s3] =	ssyncset.done $0x0  }
0xf9: {  	[sflag:s3] =	ssyncadd.s32 $0xFFFFFC60  }
0xfa: {  	[tilespmem:s6], [sflag:$0x1] =	stream.indirect.gather [hbm4b:s4+s5], $0x80, s2, s5, $0xb8;
	[tilespmem:$0x1D400] =	vst v63  }
0xfb: {  	_ =	swait.ge [sflag:s7], $0x1D000  }
0xfc: {  	[sflag:s7] =	ssyncset.done $0x0  }
0xfd: {  	s0 =	rddreg [dreg:$0xa];
	[sflag:s7] =	ssyncadd.s32 $0xFFFE3000  }
0xfe: {  	[hbm4b:s0+s2] =	stream.linear.scatter [tilespmem:s6], [sflag:$0x2], $0x1D000, $0x38;
	[tilespmem:$0x1D400] =	vst v63  }
0xff: {  	_ =	swait.ge [sflag:s3], $0x1D000  }
0x100: {  	[sflag:s3] =	ssyncset.done $0x0  }
0x101: {  	s0 =	rddreg [dreg:$0xb];
	[sflag:s3] =	ssyncadd.s32 $0xFFFE3000  }
0x102: {  	[tilespmem:s2], [sflag:$0x2] =	stream.linear.gather [hbm4b:s0+s2], $0x3A0, $0x38;
	[tilespmem:$0x1D400] =	vst v63  }
0x103: {  	_ =	swait.ge [sflag:s3], $0x3A0  }
0x104: {  	[sflag:s3] =	ssyncset.done $0x0  }
0x105: {  	[sflag:s3] =	ssyncadd.s32 $0xFFFFFC60  }
0x106: {  	[tilespmem:s6], [sflag:$0x1] =	stream.indirect.gather [hbm4b:s4+s5], $0x80, s2, s5, $0xb8;
	[tilespmem:$0x1D400] =	vst v63  }
0x107: {  	_ =	swait.ge [sflag:s7], $0x1D000  }
0x108: {  	[sflag:s7] =	ssyncset.done $0x0  }
0x109: {  	[sflag:s7] =	ssyncadd.s32 $0xFFFE3000  }
0x10a: {  	[hbm4b:s8+s2] =	stream.linear.scatter [tilespmem:s6], [sflag:$0x2], $0x1D000, $0x38;
	[tilespmem:$0x1D400] =	vst v63  }
0x10b: {  	_ =	swait.ge [sflag:s3], $0x1D000  }
0x10c: {  	[sflag:s3] =	ssyncset.done $0x0  }
0x10d: {  	[sflag:s3] =	ssyncadd.s32 $0xFFFE3000  }
0x10e: {  	[tilespmem:s2], [sflag:$0x2] =	stream.linear.gather [hbm4b:s9+s2], $0x3A0, $0x38;
	[tilespmem:$0x1D400] =	vst v63  }
0x10f: {  	_ =	swait.ge [sflag:s3], $0x3A0  }
0x110: {  	[sflag:s3] =	ssyncset.done $0x0  }
0x111: {  	[sflag:s3] =	ssyncadd.s32 $0xFFFFFC60  }
0x112: {  	[tilespmem:s6], [sflag:$0x1] =	stream.indirect.gather [hbm4b:s4+s5], $0x80, s2, s5, $0xb8;
	[tilespmem:$0x1D400] =	vst v63  }
0x113: {  	_ =	swait.ge [sflag:s7], $0x1D000  }
0x114: {  	[sflag:s7] =	ssyncset.done $0x0  }
0x115: {  	[sflag:s7] =	ssyncadd.s32 $0xFFFE3000  }
0x116: {  	[hbm4b:s10+s2] =	stream.linear.scatter [tilespmem:s6], [sflag:$0x2], $0x1D000, $0x38;
	[tilespmem:$0x1D400] =	vst v63  }
0x117: {  	_ =	swait.ge [sflag:s3], $0x1D000  }
0x118: {  	[sflag:s3] =	ssyncset.done $0x0  }
0x119: {  	[sflag:s3] =	ssyncadd.s32 $0xFFFE3000  }
0x11a: {  	[tilespmem:s2], [sflag:$0x2] =	stream.linear.gather [hbm4b:s11+s2], $0x3A0, $0x38;
	[tilespmem:$0x1D400] =	vst v63  }
0x11b: {  	_ =	swait.ge [sflag:s3], $0x3A0  }
0x11c: {  	[sflag:s3] =	ssyncset.done $0x0  }
0x11d: {  	[sflag:s3] =	ssyncadd.s32 $0xFFFFFC60  }
0x11e: {  	[tilespmem:s6], [sflag:$0x1] =	stream.indirect.gather [hbm4b:s4+s5], $0x80, s2, s5, $0xb8;
	[tilespmem:$0x1D400] =	vst v63  }
0x11f: {  	_ =	swait.ge [sflag:s7], $0x1D000  }
0x120: {  	[sflag:s7] =	ssyncset.done $0x0  }
0x121: {  	[sflag:s7] =	ssyncadd.s32 $0xFFFE3000  }
0x122: {  	[hbm4b:s12+s2] =	stream.linear.scatter [tilespmem:s6], [sflag:$0x2], $0x1D000, $0x38;
	[tilespmem:$0x1D400] =	vst v63  }
0x123: {  	_ =	swait.ge [sflag:s3], $0x1D000  }
0x124: {  	[sflag:s3] =	ssyncset.done $0x0  }
0x125: {  	[sflag:s3] =	ssyncadd.s32 $0xFFFE3000  }
0x126: {  	[tilespmem:s2], [sflag:$0x2] =	stream.linear.gather [hbm4b:s13+s2], $0x3A0, $0x38;
	[tilespmem:$0x1D400] =	vst v63  }
0x127: {  	_ =	swait.ge [sflag:s3], $0x3A0  }
0x128: {  	[sflag:s3] =	ssyncset.done $0x0  }
0x129: {  	[sflag:s3] =	ssyncadd.s32 $0xFFFFFC60  }
0x12a: {  	[tilespmem:s6], [sflag:$0x1] =	stream.indirect.gather [hbm4b:s4+s5], $0x80, s2, s5, $0xb8;
	[tilespmem:$0x1D400] =	vst v63  }
0x12b: {  	_ =	swait.ge [sflag:s7], $0x1D000  }
0x12c: {  	[sflag:s7] =	ssyncset.done $0x0  }
0x12d: {  	[sflag:s7] =	ssyncadd.s32 $0xFFFE3000  }
0x12e: {  	[hbm4b:s14+s2] =	stream.linear.scatter [tilespmem:s6], [sflag:$0x2], $0x1D000, $0x38;
	[tilespmem:$0x1D400] =	vst v63  }
0x12f: {  	_ =	swait.ge [sflag:s3], $0x1D000  }
0x130: {  	[sflag:s3] =	ssyncset.done $0x0  }
0x131: {  	[sflag:s3] =	ssyncadd.s32 $0xFFFE3000  }
0x132: {  	[tilespmem:s2], [sflag:$0x2] =	stream.linear.gather [hbm4b:s15+s2], $0x3A0, $0x38;
	[tilespmem:$0x1D400] =	vst v63  }
0x133: {  	_ =	swait.ge [sflag:s3], $0x3A0  }
0x134: {  	[sflag:s3] =	ssyncset.done $0x0  }
0x135: {  	[sflag:s3] =	ssyncadd.s32 $0xFFFFFC60  }
0x136: {  	[tilespmem:s6], [sflag:$0x1] =	stream.indirect.gather [hbm4b:s4+s5], $0x80, s2, s5, $0xb8;
	[tilespmem:$0x1D400] =	vst v63  }
0x137: {  	_ =	swait.ge [sflag:s7], $0x1D000  }
0x138: {  	[sflag:s7] =	ssyncset.done $0x0  }
0x139: {  	[sflag:s7] =	ssyncadd.s32 $0xFFFE3000  }
0x13a: {  	[hbm4b:s16+s2] =	stream.linear.scatter [tilespmem:s6], [sflag:$0x2], $0x1D000, $0x38;
	[tilespmem:$0x1D400] =	vst v63  }
0x13b: {  	_ =	swait.ge [sflag:s3], $0x1D000  }
0x13c: {  	[sflag:s3] =	ssyncset.done $0x0  }
0x13d: {  	[sflag:s3] =	ssyncadd.s32 $0xFFFE3000  }
0x13e: {  	[tilespmem:s2], [sflag:$0x2] =	stream.linear.gather [hbm4b:s17+s2], $0x3A0, $0x38;
	[tilespmem:$0x1D400] =	vst v63  }
0x13f: {  	_ =	swait.ge [sflag:s3], $0x3A0  }
0x140: {  	[sflag:s3] =	ssyncset.done $0x0  }
0x141: {  	[sflag:s3] =	ssyncadd.s32 $0xFFFFFC60  }
0x142: {  	[tilespmem:s6], [sflag:$0x1] =	stream.indirect.gather [hbm4b:s4+s5], $0x80, s2, s5, $0xb8;
	[tilespmem:$0x1D400] =	vst v63  }
0x143: {  	_ =	swait.ge [sflag:s7], $0x1D000  }
0x144: {  	[sflag:s7] =	ssyncset.done $0x0  }
0x145: {  	[sflag:s7] =	ssyncadd.s32 $0xFFFE3000  }
0x146: {  	[hbm4b:s18+s2] =	stream.linear.scatter [tilespmem:s6], [sflag:$0x2], $0x1D000, $0x38;
	[tilespmem:$0x1D400] =	vst v63  }
0x147: {  	_ =	swait.ge [sflag:s3], $0x1D000  }
0x148: {  	[sflag:s3] =	ssyncset.done $0x0  }
0x149: {  	[sflag:s3] =	ssyncadd.s32 $0xFFFE3000  }
0x14a: {  	[tilespmem:s2], [sflag:$0x2] =	stream.linear.gather [hbm4b:s19+s2], $0x3A0, $0x38;
	[tilespmem:$0x1D400] =	vst v63  }
0x14b: {  	_ =	swait.ge [sflag:s3], $0x3A0  }
0x14c: {  	[sflag:s3] =	ssyncset.done $0x0  }
0x14d: {  	[sflag:s3] =	ssyncadd.s32 $0xFFFFFC60  }
0x14e: {  	[tilespmem:s6], [sflag:$0x1] =	stream.indirect.gather [hbm4b:s4+s5], $0x80, s2, s5, $0xb8;
	[tilespmem:$0x1D400] =	vst v63  }
0x14f: {  	_ =	swait.ge [sflag:s7], $0x1D000  }
0x150: {  	[sflag:s7] =	ssyncset.done $0x0  }
0x151: {  	[sflag:s7] =	ssyncadd.s32 $0xFFFE3000  }
0x152: {  	[hbm4b:s20+s2] =	stream.linear.scatter [tilespmem:s6], [sflag:$0x2], $0x1D000, $0x38;
	[tilespmem:$0x1D400] =	vst v63  }
0x153: {  	_ =	swait.ge [sflag:s3], $0x1D000  }
0x154: {  	[sflag:s3] =	ssyncset.done $0x0  }
0x155: {  	[sflag:s3] =	ssyncadd.s32 $0xFFFE3000  }
0x156: {  	[tilespmem:s2], [sflag:$0x2] =	stream.linear.gather [hbm4b:s21+s2], $0x3A0, $0x38;
	[tilespmem:$0x1D400] =	vst v63  }
0x157: {  	_ =	swait.ge [sflag:s3], $0x3A0  }
0x158: {  	[sflag:s3] =	ssyncset.done $0x0  }
0x159: {  	[sflag:s3] =	ssyncadd.s32 $0xFFFFFC60  }
0x15a: {  	[tilespmem:s6], [sflag:$0x1] =	stream.indirect.gather [hbm4b:s4+s5], $0x80, s2, s5, $0xb8;
	[tilespmem:$0x1D400] =	vst v63  }
0x15b: {  	_ =	swait.ge [sflag:s7], $0x1D000  }
0x15c: {  	[sflag:s7] =	ssyncset.done $0x0  }
0x15d: {  	[sflag:s7] =	ssyncadd.s32 $0xFFFE3000  }
0x15e: {  	[hbm4b:s22+s2] =	stream.linear.scatter [tilespmem:s6], [sflag:$0x2], $0x1D000, $0x38;
	[tilespmem:$0x1D400] =	vst v63  }
0x15f: {  	_ =	swait.ge [sflag:s3], $0x1D000  }
0x160: {  	[sflag:s3] =	ssyncset.done $0x0  }
0x161: {  	[sflag:s3] =	ssyncadd.s32 $0xFFFE3000  }
0x162: {  	[tilespmem:s2], [sflag:$0x2] =	stream.linear.gather [hbm4b:s23+s2], $0x3A0, $0x38;
	[tilespmem:$0x1D400] =	vst v63  }
0x163: {  	_ =	swait.ge [sflag:s3], $0x3A0  }
0x164: {  	[sflag:s3] =	ssyncset.done $0x0  }
0x165: {  	[sflag:s3] =	ssyncadd.s32 $0xFFFFFC60  }
0x166: {  	[tilespmem:s6], [sflag:$0x1] =	stream.indirect.gather [hbm4b:s4+s5], $0x80, s2, s5, $0xb8;
	[tilespmem:$0x1D400] =	vst v63  }
0x167: {  	_ =	swait.ge [sflag:s7], $0x1D000  }
0x168: {  	[sflag:s7] =	ssyncset.done $0x0  }
0x169: {  	[sflag:s7] =	ssyncadd.s32 $0xFFFE3000  }
0x16a: {  	[hbm4b:s24+s2] =	stream.linear.scatter [tilespmem:s6], [sflag:$0x2], $0x1D000, $0x38;
	[tilespmem:$0x1D400] =	vst v63  }
0x16b: {  	_ =	swait.ge [sflag:s3], $0x1D000  }
0x16c: {  	[sflag:s3] =	ssyncset.done $0x0  }
0x16d: {  	[sflag:s3] =	ssyncadd.s32 $0xFFFE3000  }
0x16e: {  	[tilespmem:s2], [sflag:$0x2] =	stream.linear.gather [hbm4b:s25+s2], $0x3A0, $0x38;
	[tilespmem:$0x1D400] =	vst v63  }
0x16f: {  	_ =	swait.ge [sflag:s3], $0x3A0  }
0x170: {  	[sflag:s3] =	ssyncset.done $0x0  }
0x171: {  	[sflag:s3] =	ssyncadd.s32 $0xFFFFFC60  }
0x172: {  	[tilespmem:s6], [sflag:$0x1] =	stream.indirect.gather [hbm4b:s4+s5], $0x80, s2, s5, $0xb8;
	[tilespmem:$0x1D400] =	vst v63  }
0x173: {  	_ =	swait.ge [sflag:s7], $0x1D000  }
0x174: {  	[sflag:s7] =	ssyncset.done $0x0  }
0x175: {  	[sflag:s7] =	ssyncadd.s32 $0xFFFE3000  }
0x176: {  	[hbm4b:s26+s2] =	stream.linear.scatter [tilespmem:s6], [sflag:$0x2], $0x1D000, $0x38;
	[tilespmem:$0x1D400] =	vst v63  }
0x177: {  	_ =	swait.ge [sflag:s3], $0x1D000  }
0x178: {  	[sflag:s3] =	ssyncset.done $0x0  }
0x179: {  	[sflag:s3] =	ssyncadd.s32 $0xFFFE3000  }
0x17a: {  	[tilespmem:s2], [sflag:$0x2] =	stream.linear.gather [hbm4b:s28+s2], $0x3A0, $0x38;
	[tilespmem:$0x1D400] =	vst v63  }
0x17b: {  	_ =	swait.ge [sflag:s3], $0x3A0  }
0x17c: {  	[sflag:s3] =	ssyncset.done $0x0  }
0x17d: {  	[sflag:s3] =	ssyncadd.s32 $0xFFFFFC60  }
0x17e: {  	[tilespmem:s6], [sflag:$0x1] =	stream.indirect.gather [hbm4b:s4+s5], $0x80, s2, s5, $0xb8;
	[tilespmem:$0x1D400] =	vst v63  }
0x17f: {  	_ =	swait.ge [sflag:s7], $0x1D000  }
0x180: {  	[sflag:s7] =	ssyncset.done $0x0  }
0x181: {  	[sflag:s7] =	ssyncadd.s32 $0xFFFE3000  }
0x182: {  	[hbm4b:s29+s2] =	stream.linear.scatter [tilespmem:s6], [sflag:$0x2], $0x1D000, $0x38;
	[tilespmem:$0x1D400] =	vst v63  }
0x183: {  	_ =	swait.ge [sflag:s3], $0x1D000  }
0x184: {  	[sflag:s3] =	ssyncset.done $0x0  }
0x185: {  	[sflag:s3] =	ssyncadd.s32 $0xFFFE3000  }
0x186: {  	[tilespmem:s2], [sflag:$0x2] =	stream.linear.gather [hbm4b:s30+s2], $0x3A0, $0x38;
	[tilespmem:$0x1D400] =	vst v63  }
0x187: {  	_ =	swait.ge [sflag:s3], $0x3A0  }
0x188: {  	[sflag:s3] =	ssyncset.done $0x0  }
0x189: {  	p0 =	sne.s32 s1, $0x1;
	[sflag:s3] =	ssyncadd.s32 $0xFFFFFC60  }
0x18a: {  	[tilespmem:s6], [sflag:$0x1] =	stream.indirect.gather [hbm4b:s4+s5], $0x80, s2, s5, $0xb8;
	[tilespmem:$0x1D400] =	vst v63  }
.Ltmp1:
0x18b: {  	_ =	swait.ge [sflag:s7], $0x1D000;
	(pc) =	sbr.rel @p0 .LBB2_1-.Ltmp1, $4  }
0x18c: {  	[sflag:s7] =	ssyncset.done $0x0  }
0x18d: {  	[sflag:s7] =	ssyncadd.s32 $0xFFFE3000  }
0x18e: {  	[hbm4b:s31+s2] =	stream.linear.scatter [tilespmem:s6], [sflag:$0x2], $0x1D000, $0x38;
	[tilespmem:$0x1D400] =	vst v63  }
0x18f: {  	s1 =	sadd.s32 $0xFFFFFFFF, s1;
	_ =	swait.ge [sflag:s3], $0x1D000  }
.LBB2_2:
0x190: {  	[sflag:s3] =	ssyncset.done $0x0  }
0x191: {  	[sflag:s3] =	ssyncadd.s32 $0xFFFE3000  }
0x192: {  	_ =	sfence.sel $0x180000  }
0x193: {  	[bflag:$0x0] =	sbarrier.arrive $0xFFFF  }
0x194: {  	_ =	strace $0x90000047  }
0x195: {  	s0 =	stileid.u32;
	[bflag:$0x2] =	sbarrier.arrive $0xFFFF  }
0x196: {  	p0 =	sne.s32 s0, $0x0;
	s0 =	rddreg [dreg:$0x2]  }
0x197: {  	s0 =	sadd.s32 @!p0 $0x100000, s0  }
0x198: {  	[sflag:s0] =	ssyncadd.tile.s32 @!p0 $0x1;
	_ =	shalt  }
.Lfunc_end2:
_tile_overlayer_lowered:
.L_overlay_start_2:
0x199: {  	(tag) =	ssettag $0x2  }
0x19a: {  	s0 =	rddreg [dreg:$0x0];
	s2 =	stileid.u32  }
0x19b: {  	s1 =	rddreg [dreg:$0x1];
	p0 =	sne.s32 s2, $0x0  }
0x19c: {  	s3 =	rddreg [dreg:$0x2];
	[bflag:$0x3] =	sbarrier.arrive $0xFFFF;
	s2 =	simm.s32 @!p0 $0x1C02  }
0x19d: {  	[timem:s3], [sflag:s2] =	dma.local @!p0 [hbm:s0], s1  }
0x19e: {  	s0 =	simm.s32 @!p0 $0x2  }
0x19f: {  	_ =	swait.ge @!p0 [sflag:s0], s1  }
0x1a0: {  	s1 =	ssub.s32 @!p0 $0x0, s1;
	[sflag:s0] =	ssyncset.done @!p0 $0x0  }
0x1a1: {  	[sflag:s0] =	ssyncadd.s32 @!p0 s1  }
0x1a2: {  	[bflag:$0x3] =	sbarrier.arrive $0xFFFF  }
0x1a3: {  	_ =	shalt  }

</sc_bundles>
